<compile_context>
chip_gen: v7x
topology: tpu7x:2x2x1
jax: 0.10.2.dev20260603
libtpu: 0.0.44.dev20260713+nightly
codegen_flags: <defaults>
</compile_context>

<pallas_src>
import math

import jax
import jax.numpy as jnp
from jax import lax
from jax.experimental import pallas as pl
from jax.experimental.pallas import tpu as pltpu
from jax.experimental.pallas import tpu_sc as plsc

_N = 20000
_NODES = 256
_NEIGH = 16
_VPTS = 3
_THRESH = math.cos(math.radians(5.0))
_CHUNK = 64
_TILES_USED = (_VPTS * _NODES) // _CHUNK


_SEG = 20480


def _nms_body(st_ref, idx8_ref, idx1_ref, vp_ref, xf_ref):
    s = st_ref[0:1, :]
    x = st_ref[1:2, :]
    y = st_ref[2:3, :]
    z = st_ref[3:4, :]
    n = jnp.sqrt(x * x + y * y + z * z) + 1e-12
    ux, uy, uz = x / n, y / n, z / n
    xf_ref[pl.ds(0 * _SEG, _N)] = x.reshape(_N)
    xf_ref[pl.ds(1 * _SEG, _N)] = y.reshape(_N)
    xf_ref[pl.ds(2 * _SEG, _N)] = z.reshape(_N)

    flat = lax.broadcasted_iota(jnp.int32, (1, _N), 1)

    picked = []
    uvecs = []
    for _ in range(_VPTS):
        m = jnp.max(s)
        i = jnp.min(jnp.where(s == m, flat, jnp.int32(2**31 - 1)))
        picked.append(i)
        sel = flat == i
        xi = jnp.sum(jnp.where(sel, ux, 0.0))
        yi = jnp.sum(jnp.where(sel, uy, 0.0))
        zi = jnp.sum(jnp.where(sel, uz, 0.0))
        uvecs.append((xi, yi, zi))
        sim = jnp.abs(ux * xi + uy * yi + uz * zi)
        s = jnp.where(sim > _THRESH, -jnp.inf, s)

    lane8 = lax.broadcasted_iota(jnp.int32, (1, 8), 1)
    out = jnp.where(lane8 == 1, picked[1], picked[0])
    out = jnp.where(lane8 == 2, picked[2], out)
    idx8_ref[...] = out
    idx1_ref[...] = out[:, :_VPTS].reshape(_VPTS)

    lane3 = lax.broadcasted_iota(jnp.int32, (1, _VPTS), 1)
    for k in range(_VPTS):
        xi, yi, zi = uvecs[k]
        vp_ref[k:k + 1, :] = jnp.where(
            lane3 == 0, xi, jnp.where(lane3 == 1, yi, zi))


def _sc_gather_body(idx8_hbm, inds_hbm, xf_hbm, s1_hbm,
                    ind1_out, go_hbm,
                    idx8_v, rows8_v, idxc4_v, g_v, sem, wsem):
    wid = lax.axis_index("s")

    @pl.when(wid < _TILES_USED)
    def _():
        pltpu.sync_copy(idx8_hbm, idx8_v)
        pltpu.async_copy(inds_hbm.at[idx8_v.at[0]], rows8_v, sem).wait()

        @pl.when(wid == 0)
        def _():
            pltpu.sync_copy(rows8_v.at[pl.ds(0, _VPTS)], ind1_out)

        vpt = wid // (_NODES // _CHUNK)
        c0 = (wid % (_NODES // _CHUNK)) * _CHUNK
        for j in range(_CHUNK // 16):
            base = rows8_v[vpt, pl.ds(c0 + j * 16, 16)]
            idxc4_v[0, pl.ds(j * 16, 16)] = base
            idxc4_v[1, pl.ds(j * 16, 16)] = base + _SEG
            idxc4_v[2, pl.ds(j * 16, 16)] = base + 2 * _SEG
            idxc4_v[3, pl.ds(j * 16, 16)] = base
        copies = [
            pltpu.async_copy(xf_hbm.at[idxc4_v.at[c]], g_v.at[c], sem)
            for c in range(3)
        ]
        copies.append(
            pltpu.async_copy(s1_hbm.at[idxc4_v.at[3]], g_v.at[3], sem))
        for cp in copies:
            cp.wait()
        writes = [
            pltpu.async_copy(
                g_v.at[c],
                go_hbm.at[pl.ds(c * (_VPTS * _NODES) + wid * _CHUNK, _CHUNK)],
                wsem)
            for c in range(4)
        ]
        for w in writes:
            w.wait()


def _graph_body(g_ref, pred_ref, nb_ref):
    coli = lax.broadcasted_iota(jnp.int32, (_NODES, _NODES), 1)
    rowi = lax.broadcasted_iota(jnp.int32, (_NODES, _NODES), 0)
    iden = (rowi == coli).astype(jnp.float32)
    ga = g_ref[...].reshape(1, 4 * _VPTS * _NODES)
    a_rows = []
    sc_rows = []
    for v in range(_VPTS):
        def comp(c):
            base = c * _VPTS * _NODES + v * _NODES
            return ga[:, base:base + _NODES]
        x, y, z, s = comp(0), comp(1), comp(2), comp(3)
        n = jnp.sqrt(x * x + y * y + z * z) + 1e-12
        u = jnp.concatenate([x / n, y / n, z / n], axis=0)
        dis = lax.dot_general(u, u, (((0,), (0,)), ((), ())),
                              preferred_element_type=jnp.float32)
        a_rows.append(jnp.abs(dis))
        sc_rows.append(lax.dot_general(iden, s, (((1,), (1,)), ((), ())),
                                       preferred_element_type=jnp.float32))
    a = jnp.concatenate(a_rows, axis=0)
    sc = jnp.concatenate(sc_rows, axis=0)
    colf = lax.broadcasted_iota(
        jnp.int32, (_VPTS * _NODES, _NODES), 1).astype(jnp.float32)
    vals_cols = []
    nb_cols = []
    for _ in range(_NEIGH):
        m = jnp.max(a, axis=1, keepdims=True)
        nbf = jnp.min(jnp.where(a == m, colf, jnp.float32(_NODES)),
                      axis=1, keepdims=True)
        vals_cols.append(m)
        nb_cols.append(nbf)
        a = jnp.where(colf == nbf, -jnp.inf, a)
    vals = jnp.concatenate(vals_cols, axis=1)
    nbs = jnp.concatenate(nb_cols, axis=1).astype(jnp.int32)
    pred_all = vals + 0.1 * sc
    for v in range(_VPTS):
        sl = slice(v * _NODES, (v + 1) * _NODES)
        pred_ref[v] = pred_all[sl, :]
        nb_ref[v] = nbs[sl, :]


def kernel(scores, xyz, ind1_scale):
    f32 = jnp.float32
    i32 = jnp.int32

    st = jnp.concatenate([scores[None, :], xyz.T], axis=0)
    idx8, idx1, vpts1, xf = pl.pallas_call(
        _nms_body,
        out_shape=(jax.ShapeDtypeStruct((1, 8), i32),
                   jax.ShapeDtypeStruct((_VPTS,), i32),
                   jax.ShapeDtypeStruct((_VPTS, _VPTS), f32),
                   jax.ShapeDtypeStruct((3 * _SEG,), f32)),
    )(st)

    sc_fn = pl.kernel(
        _sc_gather_body,
        out_type=(jax.ShapeDtypeStruct((_VPTS, _NODES), i32),
                  jax.ShapeDtypeStruct((4 * _VPTS * _NODES,), f32)),
        mesh=plsc.VectorSubcoreMesh(core_axis_name="c", subcore_axis_name="s",
                                    num_cores=1),
        scratch_types=[
            pltpu.VMEM((1, 8), i32),
            pltpu.VMEM((8, _NODES), i32),
            pltpu.VMEM((4, _CHUNK), i32),
            pltpu.VMEM((4, _CHUNK), f32),
            pltpu.SemaphoreType.DMA,
            pltpu.SemaphoreType.DMA,
        ],
    )
    ind1, go = sc_fn(idx8, ind1_scale, xf, scores)

    pred, nbs = pl.pallas_call(
        _graph_body,
        out_shape=(jax.ShapeDtypeStruct((_VPTS, _NODES, _NEIGH), f32),
                   jax.ShapeDtypeStruct((_VPTS, _NODES, _NEIGH), i32)),
    )(go)

    center = jnp.broadcast_to(
        jnp.repeat(jnp.arange(_NODES, dtype=i32), _NEIGH)[None, :],
        (_VPTS, _NODES * _NEIGH))
    edge1 = jnp.stack([center, nbs.reshape(_VPTS, -1)], axis=1)
    return pred, idx1, ind1, edge1, vpts1

# --- scband reference (transcript-rebuilt; emitter-appended) ---
"""Pipeline reference for scband-vanishing-net-test-83820581749513 (READ-ONLY COPY).

The authoritative reference and input builder live on the scoring server;
editing this copy changes nothing except your own understanding.
"""

import jax, jax.numpy as jnp
import numpy as np

N = 20000
NUM_NODES = 256
NUM_NEIGHBORS = 16
NUM_VPTS = 3
NMS_THRESH = float(np.cos(np.deg2rad(5.0)))


def setup_inputs(seed: int = 0) -> dict:
    key = jax.random.key(seed)
    k1, k2, k3 = jax.random.split(key, 3)
    scores = jax.random.normal(k1, (N,), dtype=jnp.float32)
    xyz = jax.random.normal(k2, (N, 3), dtype=jnp.float32)
    ind1_scale = jax.random.randint(k3, (N, NUM_NODES), 0, N, dtype=jnp.int32)
    return {"scores": scores, "xyz": xyz, "ind1_scale": ind1_scale}


def _nms(scores, xyz_unit, k, thresh):
    # greedy angular NMS on the unit sphere (vanishing-point NMS):
    # pick argmax score, suppress all points within the angular threshold
    # (|dot| > cos(theta), antipodal points treated as identical).
    s = scores
    idxs = []
    for _ in range(k):
        i = jnp.argmax(s)
        idxs.append(i)
        sim = jnp.abs(xyz_unit @ xyz_unit[i])
        s = jnp.where(sim > thresh, -jnp.inf, s)
    return jnp.stack(idxs)


def reference(scores, xyz, ind1_scale):
    # normalize points onto the unit sphere
    xyz_unit = xyz / (jnp.linalg.norm(xyz, axis=-1, keepdims=True) + 1e-12)
    # stage-1 NMS: idx1 = nms(x0.flatten(), xyz0, 3)
    idx1 = _nms(scores, xyz_unit, NUM_VPTS, NMS_THRESH)
    anchor1 = idx1
    vpts1 = xyz_unit[anchor1]
    # ind1 = ind1_scale[anchor1]
    ind1 = jnp.take(ind1_scale, anchor1, axis=0)  # [3, NUM_NODES]
    # xyz1 = xyz[ind1.flatten()].view(3, -1, 3)
    xyz1 = jnp.take(xyz_unit, ind1.reshape(-1), axis=0).reshape(NUM_VPTS, NUM_NODES, 3)
    # dis1 = bmm(xyz1, xyz1^T); topk over |dis1| -> neighbor graph
    dis1 = jnp.einsum('bnd,bmd->bnm', xyz1, xyz1)
    vals1, neighbor1 = jax.lax.top_k(jnp.abs(dis1), NUM_NEIGHBORS)
    center1 = jnp.repeat(jnp.arange(NUM_NODES, dtype=jnp.int32), NUM_NEIGHBORS)
    center1 = jnp.broadcast_to(center1[None, :], (NUM_VPTS, NUM_NODES * NUM_NEIGHBORS))
    edge1 = jnp.stack([center1, neighbor1.reshape(NUM_VPTS, -1)], axis=1)  # [3, 2, NODES*NEIGH]
    # score field gathered at the selected candidate nodes (pred surrogate)
    pred = vals1 + 0.1 * jnp.take(scores, ind1, axis=0)[:, :, None]
    return pred, idx1, ind1, edge1, vpts1

if __name__ == "__main__":
    import jax
    _d = setup_inputs()
    print(jax.jit(kernel)(*tuple(_d.values())))

</pallas_src>

<mosaic_0001>
#map = affine_map<(d0, d1) -> (0, 0)>
#map1 = affine_map<(d0, d1) -> (0)>
module attributes {stable_mosaic.version = 14 : i64} {
  func.func @_sc_gather_body(%arg0: i32, %arg1: i32, %arg2: memref<1x8xi32, #tpu.memory_space<hbm>>, %arg3: memref<20000x256xi32, #tpu.memory_space<hbm>>, %arg4: memref<61440xf32, #tpu.memory_space<hbm>>, %arg5: memref<20000xf32, #tpu.memory_space<hbm>>, %arg6: memref<3x256xi32, #tpu.memory_space<hbm>>, %arg7: memref<3072xf32, #tpu.memory_space<hbm>>, %arg8: memref<1x8xi32, #tpu.memory_space<vmem>>, %arg9: memref<8x256xi32, #tpu.memory_space<vmem>>, %arg10: memref<4x64xi32, #tpu.memory_space<vmem>>, %arg11: memref<4x64xf32, #tpu.memory_space<vmem>>, %arg12: memref<!tpu.dma_semaphore, #tpu.memory_space<semaphore_mem>>, %arg13: memref<!tpu.dma_semaphore, #tpu.memory_space<semaphore_mem>>) attributes {dimension_semantics = [#tpu.dimension_semantics<core_parallel>, #tpu.dimension_semantics<subcore_parallel>], iteration_bounds = array<i64: 1, 16>, scalar_prefetch = 0 : i64, scratch_operands = 6 : i64, tpu.core_type = #tpu.core_type<sc_vector_subcore>, window_params = [{transform_indices = #map}, {transform_indices = #map}, {transform_indices = #map1}, {transform_indices = #map1}, {transform_indices = #map}, {transform_indices = #map1}]} {
    %lt3A = arith.constant 12 : i32
    %lt3A_0 = arith.cmpi slt, %arg1, %lt3A : i32
    %convert_element_type3A = arith.extui %lt3A_0 : i1 to i32
    %cond3A = arith.constant 0 : i32
    %cond3A_1 = arith.cmpi ne, %convert_element_type3A, %cond3A : i32
    scf.if %cond3A_1 {
      "tpu.region"() ({
        %run_scoped3A = tpu.sem_alloc : memref<!tpu.dma_semaphore, #tpu.memory_space<semaphore_mem>>
        tpu.enqueue_dma source(%arg2 : memref<1x8xi32, #tpu.memory_space<hbm>>) target(%arg8 : memref<1x8xi32, #tpu.memory_space<vmem>>) target_semaphore(%run_scoped3A : memref<!tpu.dma_semaphore, #tpu.memory_space<semaphore_mem>>)
        tpu.wait_dma2 semaphore(%run_scoped3A : memref<!tpu.dma_semaphore, #tpu.memory_space<semaphore_mem>>) src(%arg2 : memref<1x8xi32, #tpu.memory_space<hbm>>) dst(%arg8 : memref<1x8xi32, #tpu.memory_space<vmem>>)
        tpu.yield
      }) : () -> ()
      %dma_start3A = arith.constant 0 : i32
      %dma_start3A_2 = arith.constant 0 : i32
      %dma_start3A_3 = tpu.memref_slice %arg8[%dma_start3A, %dma_start3A_2] : memref<1x8xi32, #tpu.memory_space<vmem>> -> memref<1x8xi32, #tpu.memory_space<vmem>>
      %dma_start3A_4 = tpu.memref_squeeze %dma_start3A_3 : memref<1x8xi32, #tpu.memory_space<vmem>> -> memref<8xi32, #tpu.memory_space<vmem>>
      %dma_start3A_5 = arith.constant 0 : i32
      %dma_start3A_6 = arith.constant 0 : i32
      %dma_start3A_7 = tpu.memref_slice %arg3[%dma_start3A_5, %dma_start3A_6] : memref<20000x256xi32, #tpu.memory_space<hbm>> -> memref<20000x256xi32, #tpu.memory_space<hbm>>
      tpu.enqueue_indirect_dma source(%dma_start3A_7 : memref<20000x256xi32, #tpu.memory_space<hbm>>) target(%arg9 : memref<8x256xi32, #tpu.memory_space<vmem>>) offsets(%dma_start3A_4 : memref<8xi32, #tpu.memory_space<vmem>>) semaphore(%arg12 : memref<!tpu.dma_semaphore, #tpu.memory_space<semaphore_mem>>)
      %dma_wait3A = arith.constant 0 : i32
      %dma_wait3A_8 = arith.constant 0 : i32
      %dma_wait3A_9 = tpu.memref_slice %arg8[%dma_wait3A, %dma_wait3A_8] : memref<1x8xi32, #tpu.memory_space<vmem>> -> memref<1x8xi32, #tpu.memory_space<vmem>>
      %dma_wait3A_10 = tpu.memref_squeeze %dma_wait3A_9 : memref<1x8xi32, #tpu.memory_space<vmem>> -> memref<8xi32, #tpu.memory_space<vmem>>
      %dma_wait3A_11 = arith.constant 0 : i32
      %dma_wait3A_12 = arith.constant 0 : i32
      %dma_wait3A_13 = tpu.memref_slice %arg3[%dma_wait3A_11, %dma_wait3A_12] : memref<20000x256xi32, #tpu.memory_space<hbm>> -> memref<20000x256xi32, #tpu.memory_space<hbm>>
      tpu.wait_indirect_dma semaphore(%arg12 : memref<!tpu.dma_semaphore, #tpu.memory_space<semaphore_mem>>) src(%dma_wait3A_13 : memref<20000x256xi32, #tpu.memory_space<hbm>>) dst(%arg9 : memref<8x256xi32, #tpu.memory_space<vmem>>)
      %eq3A = arith.constant 0 : i32
      %eq3A_14 = arith.cmpi eq, %arg1, %eq3A : i32
      %convert_element_type3A_15 = arith.extui %eq3A_14 : i1 to i32
      %cond3A_16 = arith.constant 0 : i32
      %cond3A_17 = arith.cmpi ne, %convert_element_type3A_15, %cond3A_16 : i32
      scf.if %cond3A_17 {
        "tpu.region"() ({
          %run_scoped3A = tpu.sem_alloc : memref<!tpu.dma_semaphore, #tpu.memory_space<semaphore_mem>>
          %dma_start3A_360 = arith.constant 0 : i32
          %dma_start3A_361 = arith.constant 0 : i32
          %dma_start3A_362 = tpu.memref_slice %arg9[%dma_start3A_360, %dma_start3A_361] : memref<8x256xi32, #tpu.memory_space<vmem>> -> memref<3x256xi32, #tpu.memory_space<vmem>>
          %dma_start3A_363 = arith.constant 0 : i32
          %dma_start3A_364 = arith.constant 0 : i32
          %dma_start3A_365 = tpu.memref_slice %arg9[%dma_start3A_363, %dma_start3A_364] : memref<8x256xi32, #tpu.memory_space<vmem>> -> memref<3x256xi32, #tpu.memory_space<vmem>>
          tpu.enqueue_dma source(%dma_start3A_365 : memref<3x256xi32, #tpu.memory_space<vmem>>) target(%arg6 : memref<3x256xi32, #tpu.memory_space<hbm>>) target_semaphore(%run_scoped3A : memref<!tpu.dma_semaphore, #tpu.memory_space<semaphore_mem>>)
          %dma_wait3A_366 = arith.constant 0 : i32
          %dma_wait3A_367 = arith.constant 0 : i32
          %dma_wait3A_368 = tpu.memref_slice %arg9[%dma_wait3A_366, %dma_wait3A_367] : memref<8x256xi32, #tpu.memory_space<vmem>> -> memref<3x256xi32, #tpu.memory_space<vmem>>
          %dma_wait3A_369 = arith.constant 0 : i32
          %dma_wait3A_370 = arith.constant 0 : i32
          %dma_wait3A_371 = tpu.memref_slice %arg9[%dma_wait3A_369, %dma_wait3A_370] : memref<8x256xi32, #tpu.memory_space<vmem>> -> memref<3x256xi32, #tpu.memory_space<vmem>>
          tpu.wait_dma2 semaphore(%run_scoped3A : memref<!tpu.dma_semaphore, #tpu.memory_space<semaphore_mem>>) src(%dma_wait3A_371 : memref<3x256xi32, #tpu.memory_space<vmem>>) dst(%arg6 : memref<3x256xi32, #tpu.memory_space<hbm>>)
          tpu.yield
        }) : () -> ()
      } else {
      }
      %jit3A = arith.constant 4 : i32
      %div3A = arith.divsi %arg1, %jit3A : i32
      %sign3A = arith.constant 0 : i32
      %sign3A_18 = arith.cmpi sgt, %arg1, %sign3A : i32
      %sign3A_19 = arith.extui %sign3A_18 : i1 to i32
      %sign3A_20 = arith.constant 0 : i32
      %sign3A_21 = arith.cmpi slt, %arg1, %sign3A_20 : i32
      %sign3A_22 = arith.extui %sign3A_21 : i1 to i32
      %sign3A_23 = arith.subi %sign3A_19, %sign3A_22 : i32
      %sign3A_24 = arith.constant 0 : i32
      %sign3A_25 = arith.cmpi sgt, %jit3A, %sign3A_24 : i32
      %sign3A_26 = arith.extui %sign3A_25 : i1 to i32
      %sign3A_27 = arith.constant 0 : i32
      %sign3A_28 = arith.cmpi slt, %jit3A, %sign3A_27 : i32
      %sign3A_29 = arith.extui %sign3A_28 : i1 to i32
      %sign3A_30 = arith.subi %sign3A_26, %sign3A_29 : i32
      %ne3A = arith.cmpi ne, %sign3A_23, %sign3A_30 : i32
      %rem3A = arith.remsi %arg1, %jit3A : i32
      %ne3A_31 = arith.constant 0 : i32
      %ne3A_32 = arith.cmpi ne, %rem3A, %ne3A_31 : i32
      %and3A = arith.andi %ne3A, %ne3A_32 : i1
      %sub3A = arith.constant 1 : i32
      %sub3A_33 = arith.subi %div3A, %sub3A : i32
      %select_n3A = arith.select %and3A, %sub3A_33, %div3A : i32
      %jit3A_34 = arith.constant 4 : i32
      %eq3A_35 = arith.constant 0 : i32
      %eq3A_36 = arith.cmpi eq, %jit3A_34, %eq3A_35 : i32
      %jit3A_37 = arith.constant 1 : i32
      %select_n3A_38 = arith.select %eq3A_36, %jit3A_37, %jit3A_34 : i32
      %rem3A_39 = arith.remsi %arg1, %select_n3A_38 : i32
      %ne3A_40 = arith.constant 0 : i32
      %ne3A_41 = arith.cmpi ne, %rem3A_39, %ne3A_40 : i32
      %lt3A_42 = arith.constant 0 : i32
      %lt3A_43 = arith.cmpi slt, %rem3A_39, %lt3A_42 : i32
      %lt3A_44 = arith.constant 0 : i32
      %lt3A_45 = arith.cmpi slt, %select_n3A_38, %lt3A_44 : i32
      %ne3A_46 = arith.xori %lt3A_43, %lt3A_45 : i1
      %and3A_47 = arith.andi %ne3A_46, %ne3A_41 : i1
      %add3A = arith.addi %rem3A_39, %select_n3A_38 : i32
      %select_n3A_48 = arith.select %and3A_47, %add3A, %rem3A_39 : i32
      %mul3A = arith.constant 64 : i32
      %mul3A_49 = arith.muli %select_n3A_48, %mul3A : i32
      %add3A_50 = arith.constant 0 : i32
      %add3A_51 = arith.addi %mul3A_49, %add3A_50 : i32
      %get3A = arith.index_cast %select_n3A : i32 to index
      %get3A_52 = arith.index_cast %add3A_51 : i32 to index
      %get3A_53 = tpu.vector_load %arg9[%get3A, %get3A_52] {strides = array<i32>} : memref<8x256xi32, #tpu.memory_space<vmem>>, vector<1x16xi32>,
      %get3A_54 = vector.shape_cast %get3A_53 : vector<1x16xi32> to vector<16xi32>
      %swap3A = arith.constant 0 : i32
      %swap3A_55 = arith.index_cast %swap3A : i32 to index
      %swap3A_56 = arith.constant 0 : index
      %swap3A_57 = tpu.vector_load %arg10[%swap3A_55, %swap3A_56] {strides = array<i32>} : memref<4x64xi32, #tpu.memory_space<vmem>>, vector<1x16xi32>,
      %swap3A_58 = vector.shape_cast %swap3A_57 : vector<1x16xi32> to vector<16xi32>
      %swap3A_59 = vector.shape_cast %get3A_54 : vector<16xi32> to vector<1x16xi32>
      tpu.vector_store %arg10[%swap3A_55, %swap3A_56], %swap3A_59 {strides = array<i32>} : memref<4x64xi32, #tpu.memory_space<vmem>>, vector<1x16xi32>,
      %add3A_60 = arith.constant 20480 : i32
      %add3A_61 = vector.broadcast %add3A_60 : i32 to vector<16xi32>
      %add3A_62 = arith.addi %get3A_54, %add3A_61 : vector<16xi32>
      %swap3A_63 = arith.constant 1 : i32
      %swap3A_64 = arith.index_cast %swap3A_63 : i32 to index
      %swap3A_65 = arith.constant 0 : index
      %swap3A_66 = tpu.vector_load %arg10[%swap3A_64, %swap3A_65] {strides = array<i32>} : memref<4x64xi32, #tpu.memory_space<vmem>>, vector<1x16xi32>,
      %swap3A_67 = vector.shape_cast %swap3A_66 : vector<1x16xi32> to vector<16xi32>
      %swap3A_68 = vector.shape_cast %add3A_62 : vector<16xi32> to vector<1x16xi32>
      tpu.vector_store %arg10[%swap3A_64, %swap3A_65], %swap3A_68 {strides = array<i32>} : memref<4x64xi32, #tpu.memory_space<vmem>>, vector<1x16xi32>,
      %add3A_69 = arith.constant 40960 : i32
      %add3A_70 = vector.broadcast %add3A_69 : i32 to vector<16xi32>
      %add3A_71 = arith.addi %get3A_54, %add3A_70 : vector<16xi32>
      %swap3A_72 = arith.constant 2 : i32
      %swap3A_73 = arith.index_cast %swap3A_72 : i32 to index
      %swap3A_74 = arith.constant 0 : index
      %swap3A_75 = tpu.vector_load %arg10[%swap3A_73, %swap3A_74] {strides = array<i32>} : memref<4x64xi32, #tpu.memory_space<vmem>>, vector<1x16xi32>,
      %swap3A_76 = vector.shape_cast %swap3A_75 : vector<1x16xi32> to vector<16xi32>
      %swap3A_77 = vector.shape_cast %add3A_71 : vector<16xi32> to vector<1x16xi32>
      tpu.vector_store %arg10[%swap3A_73, %swap3A_74], %swap3A_77 {strides = array<i32>} : memref<4x64xi32, #tpu.memory_space<vmem>>, vector<1x16xi32>,
      %swap3A_78 = arith.constant 3 : i32
      %swap3A_79 = arith.index_cast %swap3A_78 : i32 to index
      %swap3A_80 = arith.constant 0 : index
      %swap3A_81 = tpu.vector_load %arg10[%swap3A_79, %swap3A_80] {strides = array<i32>} : memref<4x64xi32, #tpu.memory_space<vmem>>, vector<1x16xi32>,
      %swap3A_82 = vector.shape_cast %swap3A_81 : vector<1x16xi32> to vector<16xi32>
      %swap3A_83 = vector.shape_cast %get3A_54 : vector<16xi32> to vector<1x16xi32>
      tpu.vector_store %arg10[%swap3A_79, %swap3A_80], %swap3A_83 {strides = array<i32>} : memref<4x64xi32, #tpu.memory_space<vmem>>, vector<1x16xi32>,
      %add3A_84 = arith.constant 16 : i32
      %add3A_85 = arith.addi %mul3A_49, %add3A_84 : i32
      %get3A_86 = arith.index_cast %select_n3A : i32 to index
      %get3A_87 = arith.index_cast %add3A_85 : i32 to index
      %get3A_88 = tpu.vector_load %arg9[%get3A_86, %get3A_87] {strides = array<i32>} : memref<8x256xi32, #tpu.memory_space<vmem>>, vector<1x16xi32>,
      %get3A_89 = vector.shape_cast %get3A_88 : vector<1x16xi32> to vector<16xi32>
      %swap3A_90 = arith.constant 0 : i32
      %swap3A_91 = arith.index_cast %swap3A_90 : i32 to index
      %swap3A_92 = arith.constant 16 : index
      %swap3A_93 = tpu.vector_load %arg10[%swap3A_91, %swap3A_92] {strides = array<i32>} : memref<4x64xi32, #tpu.memory_space<vmem>>, vector<1x16xi32>,
      %swap3A_94 = vector.shape_cast %swap3A_93 : vector<1x16xi32> to vector<16xi32>
      %swap3A_95 = vector.shape_cast %get3A_89 : vector<16xi32> to vector<1x16xi32>
      tpu.vector_store %arg10[%swap3A_91, %swap3A_92], %swap3A_95 {strides = array<i32>} : memref<4x64xi32, #tpu.memory_space<vmem>>, vector<1x16xi32>,
      %add3A_96 = arith.constant 20480 : i32
      %add3A_97 = vector.broadcast %add3A_96 : i32 to vector<16xi32>
      %add3A_98 = arith.addi %get3A_89, %add3A_97 : vector<16xi32>
      %swap3A_99 = arith.constant 1 : i32
      %swap3A_100 = arith.index_cast %swap3A_99 : i32 to index
      %swap3A_101 = arith.constant 16 : index
      %swap3A_102 = tpu.vector_load %arg10[%swap3A_100, %swap3A_101] {strides = array<i32>} : memref<4x64xi32, #tpu.memory_space<vmem>>, vector<1x16xi32>,
      %swap3A_103 = vector.shape_cast %swap3A_102 : vector<1x16xi32> to vector<16xi32>
      %swap3A_104 = vector.shape_cast %add3A_98 : vector<16xi32> to vector<1x16xi32>
      tpu.vector_store %arg10[%swap3A_100, %swap3A_101], %swap3A_104 {strides = array<i32>} : memref<4x64xi32, #tpu.memory_space<vmem>>, vector<1x16xi32>,
      %add3A_105 = arith.constant 40960 : i32
      %add3A_106 = vector.broadcast %add3A_105 : i32 to vector<16xi32>
      %add3A_107 = arith.addi %get3A_89, %add3A_106 : vector<16xi32>
      %swap3A_108 = arith.constant 2 : i32
      %swap3A_109 = arith.index_cast %swap3A_108 : i32 to index
      %swap3A_110 = arith.constant 16 : index
      %swap3A_111 = tpu.vector_load %arg10[%swap3A_109, %swap3A_110] {strides = array<i32>} : memref<4x64xi32, #tpu.memory_space<vmem>>, vector<1x16xi32>,
      %swap3A_112 = vector.shape_cast %swap3A_111 : vector<1x16xi32> to vector<16xi32>
      %swap3A_113 = vector.shape_cast %add3A_107 : vector<16xi32> to vector<1x16xi32>
      tpu.vector_store %arg10[%swap3A_109, %swap3A_110], %swap3A_113 {strides = array<i32>} : memref<4x64xi32, #tpu.memory_space<vmem>>, vector<1x16xi32>,
      %swap3A_114 = arith.constant 3 : i32
      %swap3A_115 = arith.index_cast %swap3A_114 : i32 to index
      %swap3A_116 = arith.constant 16 : index
      %swap3A_117 = tpu.vector_load %arg10[%swap3A_115, %swap3A_116] {strides = array<i32>} : memref<4x64xi32, #tpu.memory_space<vmem>>, vector<1x16xi32>,
      %swap3A_118 = vector.shape_cast %swap3A_117 : vector<1x16xi32> to vector<16xi32>
      %swap3A_119 = vector.shape_cast %get3A_89 : vector<16xi32> to vector<1x16xi32>
      tpu.vector_store %arg10[%swap3A_115, %swap3A_116], %swap3A_119 {strides = array<i32>} : memref<4x64xi32, #tpu.memory_space<vmem>>, vector<1x16xi32>,
      %add3A_120 = arith.constant 32 : i32
      %add3A_121 = arith.addi %mul3A_49, %add3A_120 : i32
      %get3A_122 = arith.index_cast %select_n3A : i32 to index
      %get3A_123 = arith.index_cast %add3A_121 : i32 to index
      %get3A_124 = tpu.vector_load %arg9[%get3A_122, %get3A_123] {strides = array<i32>} : memref<8x256xi32, #tpu.memory_space<vmem>>, vector<1x16xi32>,
      %get3A_125 = vector.shape_cast %get3A_124 : vector<1x16xi32> to vector<16xi32>
      %swap3A_126 = arith.constant 0 : i32
      %swap3A_127 = arith.index_cast %swap3A_126 : i32 to index
      %swap3A_128 = arith.constant 32 : index
      %swap3A_129 = tpu.vector_load %arg10[%swap3A_127, %swap3A_128] {strides = array<i32>} : memref<4x64xi32, #tpu.memory_space<vmem>>, vector<1x16xi32>,
      %swap3A_130 = vector.shape_cast %swap3A_129 : vector<1x16xi32> to vector<16xi32>
      %swap3A_131 = vector.shape_cast %get3A_125 : vector<16xi32> to vector<1x16xi32>
      tpu.vector_store %arg10[%swap3A_127, %swap3A_128], %swap3A_131 {strides = array<i32>} : memref<4x64xi32, #tpu.memory_space<vmem>>, vector<1x16xi32>,
      %add3A_132 = arith.constant 20480 : i32
      %add3A_133 = vector.broadcast %add3A_132 : i32 to vector<16xi32>
      %add3A_134 = arith.addi %get3A_125, %add3A_133 : vector<16xi32>
      %swap3A_135 = arith.constant 1 : i32
      %swap3A_136 = arith.index_cast %swap3A_135 : i32 to index
      %swap3A_137 = arith.constant 32 : index
      %swap3A_138 = tpu.vector_load %arg10[%swap3A_136, %swap3A_137] {strides = array<i32>} : memref<4x64xi32, #tpu.memory_space<vmem>>, vector<1x16xi32>,
      %swap3A_139 = vector.shape_cast %swap3A_138 : vector<1x16xi32> to vector<16xi32>
      %swap3A_140 = vector.shape_cast %add3A_134 : vector<16xi32> to vector<1x16xi32>
      tpu.vector_store %arg10[%swap3A_136, %swap3A_137], %swap3A_140 {strides = array<i32>} : memref<4x64xi32, #tpu.memory_space<vmem>>, vector<1x16xi32>,
      %add3A_141 = arith.constant 40960 : i32
      %add3A_142 = vector.broadcast %add3A_141 : i32 to vector<16xi32>
      %add3A_143 = arith.addi %get3A_125, %add3A_142 : vector<16xi32>
      %swap3A_144 = arith.constant 2 : i32
      %swap3A_145 = arith.index_cast %swap3A_144 : i32 to index
      %swap3A_146 = arith.constant 32 : index
      %swap3A_147 = tpu.vector_load %arg10[%swap3A_145, %swap3A_146] {strides = array<i32>} : memref<4x64xi32, #tpu.memory_space<vmem>>, vector<1x16xi32>,
      %swap3A_148 = vector.shape_cast %swap3A_147 : vector<1x16xi32> to vector<16xi32>
      %swap3A_149 = vector.shape_cast %add3A_143 : vector<16xi32> to vector<1x16xi32>
      tpu.vector_store %arg10[%swap3A_145, %swap3A_146], %swap3A_149 {strides = array<i32>} : memref<4x64xi32, #tpu.memory_space<vmem>>, vector<1x16xi32>,
      %swap3A_150 = arith.constant 3 : i32
      %swap3A_151 = arith.index_cast %swap3A_150 : i32 to index
      %swap3A_152 = arith.constant 32 : index
      %swap3A_153 = tpu.vector_load %arg10[%swap3A_151, %swap3A_152] {strides = array<i32>} : memref<4x64xi32, #tpu.memory_space<vmem>>, vector<1x16xi32>,
      %swap3A_154 = vector.shape_cast %swap3A_153 : vector<1x16xi32> to vector<16xi32>
      %swap3A_155 = vector.shape_cast %get3A_125 : vector<16xi32> to vector<1x16xi32>
      tpu.vector_store %arg10[%swap3A_151, %swap3A_152], %swap3A_155 {strides = array<i32>} : memref<4x64xi32, #tpu.memory_space<vmem>>, vector<1x16xi32>,
      %add3A_156 = arith.constant 48 : i32
      %add3A_157 = arith.addi %mul3A_49, %add3A_156 : i32
      %get3A_158 = arith.index_cast %select_n3A : i32 to index
      %get3A_159 = arith.index_cast %add3A_157 : i32 to index
      %get3A_160 = tpu.vector_load %arg9[%get3A_158, %get3A_159] {strides = array<i32>} : memref<8x256xi32, #tpu.memory_space<vmem>>, vector<1x16xi32>,
      %get3A_161 = vector.shape_cast %get3A_160 : vector<1x16xi32> to vector<16xi32>
      %swap3A_162 = arith.constant 0 : i32
      %swap3A_163 = arith.index_cast %swap3A_162 : i32 to index
      %swap3A_164 = arith.constant 48 : index
      %swap3A_165 = tpu.vector_load %arg10[%swap3A_163, %swap3A_164] {strides = array<i32>} : memref<4x64xi32, #tpu.memory_space<vmem>>, vector<1x16xi32>,
      %swap3A_166 = vector.shape_cast %swap3A_165 : vector<1x16xi32> to vector<16xi32>
      %swap3A_167 = vector.shape_cast %get3A_161 : vector<16xi32> to vector<1x16xi32>
      tpu.vector_store %arg10[%swap3A_163, %swap3A_164], %swap3A_167 {strides = array<i32>} : memref<4x64xi32, #tpu.memory_space<vmem>>, vector<1x16xi32>,
      %add3A_168 = arith.constant 20480 : i32
      %add3A_169 = vector.broadcast %add3A_168 : i32 to vector<16xi32>
      %add3A_170 = arith.addi %get3A_161, %add3A_169 : vector<16xi32>
      %swap3A_171 = arith.constant 1 : i32
      %swap3A_172 = arith.index_cast %swap3A_171 : i32 to index
      %swap3A_173 = arith.constant 48 : index
      %swap3A_174 = tpu.vector_load %arg10[%swap3A_172, %swap3A_173] {strides = array<i32>} : memref<4x64xi32, #tpu.memory_space<vmem>>, vector<1x16xi32>,
      %swap3A_175 = vector.shape_cast %swap3A_174 : vector<1x16xi32> to vector<16xi32>
      %swap3A_176 = vector.shape_cast %add3A_170 : vector<16xi32> to vector<1x16xi32>
      tpu.vector_store %arg10[%swap3A_172, %swap3A_173], %swap3A_176 {strides = array<i32>} : memref<4x64xi32, #tpu.memory_space<vmem>>, vector<1x16xi32>,
      %add3A_177 = arith.constant 40960 : i32
      %add3A_178 = vector.broadcast %add3A_177 : i32 to vector<16xi32>
      %add3A_179 = arith.addi %get3A_161, %add3A_178 : vector<16xi32>
      %swap3A_180 = arith.constant 2 : i32
      %swap3A_181 = arith.index_cast %swap3A_180 : i32 to index
      %swap3A_182 = arith.constant 48 : index
      %swap3A_183 = tpu.vector_load %arg10[%swap3A_181, %swap3A_182] {strides = array<i32>} : memref<4x64xi32, #tpu.memory_space<vmem>>, vector<1x16xi32>,
      %swap3A_184 = vector.shape_cast %swap3A_183 : vector<1x16xi32> to vector<16xi32>
      %swap3A_185 = vector.shape_cast %add3A_179 : vector<16xi32> to vector<1x16xi32>
      tpu.vector_store %arg10[%swap3A_181, %swap3A_182], %swap3A_185 {strides = array<i32>} : memref<4x64xi32, #tpu.memory_space<vmem>>, vector<1x16xi32>,
      %swap3A_186 = arith.constant 3 : i32
      %swap3A_187 = arith.index_cast %swap3A_186 : i32 to index
      %swap3A_188 = arith.constant 48 : index
      %swap3A_189 = tpu.vector_load %arg10[%swap3A_187, %swap3A_188] {strides = array<i32>} : memref<4x64xi32, #tpu.memory_space<vmem>>, vector<1x16xi32>,
      %swap3A_190 = vector.shape_cast %swap3A_189 : vector<1x16xi32> to vector<16xi32>
      %swap3A_191 = vector.shape_cast %get3A_161 : vector<16xi32> to vector<1x16xi32>
      tpu.vector_store %arg10[%swap3A_187, %swap3A_188], %swap3A_191 {strides = array<i32>} : memref<4x64xi32, #tpu.memory_space<vmem>>, vector<1x16xi32>,
      %dma_start3A_192 = arith.constant 0 : i32
      %dma_start3A_193 = arith.constant 0 : i32
      %dma_start3A_194 = arith.constant 0 : i32
      %dma_start3A_195 = tpu.memref_slice %arg11[%dma_start3A_193, %dma_start3A_194] : memref<4x64xf32, #tpu.memory_space<vmem>> -> memref<1x64xf32, #tpu.memory_space<vmem>>
      %dma_start3A_196 = tpu.memref_squeeze %dma_start3A_195 : memref<1x64xf32, #tpu.memory_space<vmem>> -> memref<64xf32, #tpu.memory_space<vmem>>
      %dma_start3A_197 = arith.constant 0 : i32
      %dma_start3A_198 = tpu.memref_slice %arg10[%dma_start3A_192, %dma_start3A_197] : memref<4x64xi32, #tpu.memory_space<vmem>> -> memref<1x64xi32, #tpu.memory_space<vmem>>
      %dma_start3A_199 = tpu.memref_squeeze %dma_start3A_198 : memref<1x64xi32, #tpu.memory_space<vmem>> -> memref<64xi32, #tpu.memory_space<vmem>>
      %dma_start3A_200 = arith.constant 0 : i32
      %dma_start3A_201 = tpu.memref_slice %arg4[%dma_start3A_200] : memref<61440xf32, #tpu.memory_space<hbm>> -> memref<61440xf32, #tpu.memory_space<hbm>>
      tpu.enqueue_indirect_dma source(%dma_start3A_201 : memref<61440xf32, #tpu.memory_space<hbm>>) target(%dma_start3A_196 : memref<64xf32, #tpu.memory_space<vmem>>) offsets(%dma_start3A_199 : memref<64xi32, #tpu.memory_space<vmem>>) semaphore(%arg12 : memref<!tpu.dma_semaphore, #tpu.memory_space<semaphore_mem>>)
      %dma_start3A_202 = arith.constant 1 : i32
      %dma_start3A_203 = arith.constant 1 : i32
      %dma_start3A_204 = arith.constant 0 : i32
      %dma_start3A_205 = tpu.memref_slice %arg11[%dma_start3A_203, %dma_start3A_204] : memref<4x64xf32, #tpu.memory_space<vmem>> -> memref<1x64xf32, #tpu.memory_space<vmem>>
      %dma_start3A_206 = tpu.memref_squeeze %dma_start3A_205 : memref<1x64xf32, #tpu.memory_space<vmem>> -> memref<64xf32, #tpu.memory_space<vmem>>
      %dma_start3A_207 = arith.constant 0 : i32
      %dma_start3A_208 = tpu.memref_slice %arg10[%dma_start3A_202, %dma_start3A_207] : memref<4x64xi32, #tpu.memory_space<vmem>> -> memref<1x64xi32, #tpu.memory_space<vmem>>
      %dma_start3A_209 = tpu.memref_squeeze %dma_start3A_208 : memref<1x64xi32, #tpu.memory_space<vmem>> -> memref<64xi32, #tpu.memory_space<vmem>>
      %dma_start3A_210 = arith.constant 0 : i32
      %dma_start3A_211 = tpu.memref_slice %arg4[%dma_start3A_210] : memref<61440xf32, #tpu.memory_space<hbm>> -> memref<61440xf32, #tpu.memory_space<hbm>>
      tpu.enqueue_indirect_dma source(%dma_start3A_211 : memref<61440xf32, #tpu.memory_space<hbm>>) target(%dma_start3A_206 : memref<64xf32, #tpu.memory_space<vmem>>) offsets(%dma_start3A_209 : memref<64xi32, #tpu.memory_space<vmem>>) semaphore(%arg12 : memref<!tpu.dma_semaphore, #tpu.memory_space<semaphore_mem>>)
      %dma_start3A_212 = arith.constant 2 : i32
      %dma_start3A_213 = arith.constant 2 : i32
      %dma_start3A_214 = arith.constant 0 : i32
      %dma_start3A_215 = tpu.memref_slice %arg11[%dma_start3A_213, %dma_start3A_214] : memref<4x64xf32, #tpu.memory_space<vmem>> -> memref<1x64xf32, #tpu.memory_space<vmem>>
      %dma_start3A_216 = tpu.memref_squeeze %dma_start3A_215 : memref<1x64xf32, #tpu.memory_space<vmem>> -> memref<64xf32, #tpu.memory_space<vmem>>
      %dma_start3A_217 = arith.constant 0 : i32
      %dma_start3A_218 = tpu.memref_slice %arg10[%dma_start3A_212, %dma_start3A_217] : memref<4x64xi32, #tpu.memory_space<vmem>> -> memref<1x64xi32, #tpu.memory_space<vmem>>
      %dma_start3A_219 = tpu.memref_squeeze %dma_start3A_218 : memref<1x64xi32, #tpu.memory_space<vmem>> -> memref<64xi32, #tpu.memory_space<vmem>>
      %dma_start3A_220 = arith.constant 0 : i32
      %dma_start3A_221 = tpu.memref_slice %arg4[%dma_start3A_220] : memref<61440xf32, #tpu.memory_space<hbm>> -> memref<61440xf32, #tpu.memory_space<hbm>>
      tpu.enqueue_indirect_dma source(%dma_start3A_221 : memref<61440xf32, #tpu.memory_space<hbm>>) target(%dma_start3A_216 : memref<64xf32, #tpu.memory_space<vmem>>) offsets(%dma_start3A_219 : memref<64xi32, #tpu.memory_space<vmem>>) semaphore(%arg12 : memref<!tpu.dma_semaphore, #tpu.memory_space<semaphore_mem>>)
      %dma_start3A_222 = arith.constant 3 : i32
      %dma_start3A_223 = arith.constant 3 : i32
      %dma_start3A_224 = arith.constant 0 : i32
      %dma_start3A_225 = tpu.memref_slice %arg11[%dma_start3A_223, %dma_start3A_224] : memref<4x64xf32, #tpu.memory_space<vmem>> -> memref<1x64xf32, #tpu.memory_space<vmem>>
      %dma_start3A_226 = tpu.memref_squeeze %dma_start3A_225 : memref<1x64xf32, #tpu.memory_space<vmem>> -> memref<64xf32, #tpu.memory_space<vmem>>
      %dma_start3A_227 = arith.constant 0 : i32
      %dma_start3A_228 = tpu.memref_slice %arg10[%dma_start3A_222, %dma_start3A_227] : memref<4x64xi32, #tpu.memory_space<vmem>> -> memref<1x64xi32, #tpu.memory_space<vmem>>
      %dma_start3A_229 = tpu.memref_squeeze %dma_start3A_228 : memref<1x64xi32, #tpu.memory_space<vmem>> -> memref<64xi32, #tpu.memory_space<vmem>>
      %dma_start3A_230 = arith.constant 0 : i32
      %dma_start3A_231 = tpu.memref_slice %arg5[%dma_start3A_230] : memref<20000xf32, #tpu.memory_space<hbm>> -> memref<20000xf32, #tpu.memory_space<hbm>>
      tpu.enqueue_indirect_dma source(%dma_start3A_231 : memref<20000xf32, #tpu.memory_space<hbm>>) target(%dma_start3A_226 : memref<64xf32, #tpu.memory_space<vmem>>) offsets(%dma_start3A_229 : memref<64xi32, #tpu.memory_space<vmem>>) semaphore(%arg12 : memref<!tpu.dma_semaphore, #tpu.memory_space<semaphore_mem>>)
      %dma_wait3A_232 = arith.constant 0 : i32
      %dma_wait3A_233 = arith.constant 0 : i32
      %dma_wait3A_234 = arith.constant 0 : i32
      %dma_wait3A_235 = tpu.memref_slice %arg11[%dma_wait3A_233, %dma_wait3A_234] : memref<4x64xf32, #tpu.memory_space<vmem>> -> memref<1x64xf32, #tpu.memory_space<vmem>>
      %dma_wait3A_236 = tpu.memref_squeeze %dma_wait3A_235 : memref<1x64xf32, #tpu.memory_space<vmem>> -> memref<64xf32, #tpu.memory_space<vmem>>
      %dma_wait3A_237 = arith.constant 0 : i32
      %dma_wait3A_238 = tpu.memref_slice %arg10[%dma_wait3A_232, %dma_wait3A_237] : memref<4x64xi32, #tpu.memory_space<vmem>> -> memref<1x64xi32, #tpu.memory_space<vmem>>
      %dma_wait3A_239 = tpu.memref_squeeze %dma_wait3A_238 : memref<1x64xi32, #tpu.memory_space<vmem>> -> memref<64xi32, #tpu.memory_space<vmem>>
      %dma_wait3A_240 = arith.constant 0 : i32
      %dma_wait3A_241 = tpu.memref_slice %arg4[%dma_wait3A_240] : memref<61440xf32, #tpu.memory_space<hbm>> -> memref<61440xf32, #tpu.memory_space<hbm>>
      tpu.wait_indirect_dma semaphore(%arg12 : memref<!tpu.dma_semaphore, #tpu.memory_space<semaphore_mem>>) src(%dma_wait3A_241 : memref<61440xf32, #tpu.memory_space<hbm>>) dst(%dma_wait3A_236 : memref<64xf32, #tpu.memory_space<vmem>>)
      %dma_wait3A_242 = arith.constant 1 : i32
      %dma_wait3A_243 = arith.constant 1 : i32
      %dma_wait3A_244 = arith.constant 0 : i32
      %dma_wait3A_245 = tpu.memref_slice %arg11[%dma_wait3A_243, %dma_wait3A_244] : memref<4x64xf32, #tpu.memory_space<vmem>> -> memref<1x64xf32, #tpu.memory_space<vmem>>
      %dma_wait3A_246 = tpu.memref_squeeze %dma_wait3A_245 : memref<1x64xf32, #tpu.memory_space<vmem>> -> memref<64xf32, #tpu.memory_space<vmem>>
      %dma_wait3A_247 = arith.constant 0 : i32
      %dma_wait3A_248 = tpu.memref_slice %arg10[%dma_wait3A_242, %dma_wait3A_247] : memref<4x64xi32, #tpu.memory_space<vmem>> -> memref<1x64xi32, #tpu.memory_space<vmem>>
      %dma_wait3A_249 = tpu.memref_squeeze %dma_wait3A_248 : memref<1x64xi32, #tpu.memory_space<vmem>> -> memref<64xi32, #tpu.memory_space<vmem>>
      %dma_wait3A_250 = arith.constant 0 : i32
      %dma_wait3A_251 = tpu.memref_slice %arg4[%dma_wait3A_250] : memref<61440xf32, #tpu.memory_space<hbm>> -> memref<61440xf32, #tpu.memory_space<hbm>>
      tpu.wait_indirect_dma semaphore(%arg12 : memref<!tpu.dma_semaphore, #tpu.memory_space<semaphore_mem>>) src(%dma_wait3A_251 : memref<61440xf32, #tpu.memory_space<hbm>>) dst(%dma_wait3A_246 : memref<64xf32, #tpu.memory_space<vmem>>)
      %dma_wait3A_252 = arith.constant 2 : i32
      %dma_wait3A_253 = arith.constant 2 : i32
      %dma_wait3A_254 = arith.constant 0 : i32
      %dma_wait3A_255 = tpu.memref_slice %arg11[%dma_wait3A_253, %dma_wait3A_254] : memref<4x64xf32, #tpu.memory_space<vmem>> -> memref<1x64xf32, #tpu.memory_space<vmem>>
      %dma_wait3A_256 = tpu.memref_squeeze %dma_wait3A_255 : memref<1x64xf32, #tpu.memory_space<vmem>> -> memref<64xf32, #tpu.memory_space<vmem>>
      %dma_wait3A_257 = arith.constant 0 : i32
      %dma_wait3A_258 = tpu.memref_slice %arg10[%dma_wait3A_252, %dma_wait3A_257] : memref<4x64xi32, #tpu.memory_space<vmem>> -> memref<1x64xi32, #tpu.memory_space<vmem>>
      %dma_wait3A_259 = tpu.memref_squeeze %dma_wait3A_258 : memref<1x64xi32, #tpu.memory_space<vmem>> -> memref<64xi32, #tpu.memory_space<vmem>>
      %dma_wait3A_260 = arith.constant 0 : i32
      %dma_wait3A_261 = tpu.memref_slice %arg4[%dma_wait3A_260] : memref<61440xf32, #tpu.memory_space<hbm>> -> memref<61440xf32, #tpu.memory_space<hbm>>
      tpu.wait_indirect_dma semaphore(%arg12 : memref<!tpu.dma_semaphore, #tpu.memory_space<semaphore_mem>>) src(%dma_wait3A_261 : memref<61440xf32, #tpu.memory_space<hbm>>) dst(%dma_wait3A_256 : memref<64xf32, #tpu.memory_space<vmem>>)
      %dma_wait3A_262 = arith.constant 3 : i32
      %dma_wait3A_263 = arith.constant 3 : i32
      %dma_wait3A_264 = arith.constant 0 : i32
      %dma_wait3A_265 = tpu.memref_slice %arg11[%dma_wait3A_263, %dma_wait3A_264] : memref<4x64xf32, #tpu.memory_space<vmem>> -> memref<1x64xf32, #tpu.memory_space<vmem>>
      %dma_wait3A_266 = tpu.memref_squeeze %dma_wait3A_265 : memref<1x64xf32, #tpu.memory_space<vmem>> -> memref<64xf32, #tpu.memory_space<vmem>>
      %dma_wait3A_267 = arith.constant 0 : i32
      %dma_wait3A_268 = tpu.memref_slice %arg10[%dma_wait3A_262, %dma_wait3A_267] : memref<4x64xi32, #tpu.memory_space<vmem>> -> memref<1x64xi32, #tpu.memory_space<vmem>>
      %dma_wait3A_269 = tpu.memref_squeeze %dma_wait3A_268 : memref<1x64xi32, #tpu.memory_space<vmem>> -> memref<64xi32, #tpu.memory_space<vmem>>
      %dma_wait3A_270 = arith.constant 0 : i32
      %dma_wait3A_271 = tpu.memref_slice %arg5[%dma_wait3A_270] : memref<20000xf32, #tpu.memory_space<hbm>> -> memref<20000xf32, #tpu.memory_space<hbm>>
      tpu.wait_indirect_dma semaphore(%arg12 : memref<!tpu.dma_semaphore, #tpu.memory_space<semaphore_mem>>) src(%dma_wait3A_271 : memref<20000xf32, #tpu.memory_space<hbm>>) dst(%dma_wait3A_266 : memref<64xf32, #tpu.memory_space<vmem>>)
      %mul3A_272 = arith.constant 64 : i32
      %mul3A_273 = arith.muli %arg1, %mul3A_272 : i32
      %add3A_274 = arith.constant 0 : i32
      %add3A_275 = arith.addi %add3A_274, %mul3A_273 : i32
      %dma_start3A_276 = arith.constant 0 : i32
      %dma_start3A_277 = arith.constant 0 : i32
      %dma_start3A_278 = tpu.memref_slice %arg11[%dma_start3A_276, %dma_start3A_277] : memref<4x64xf32, #tpu.memory_space<vmem>> -> memref<1x64xf32, #tpu.memory_space<vmem>>
      %dma_start3A_279 = tpu.memref_squeeze %dma_start3A_278 : memref<1x64xf32, #tpu.memory_space<vmem>> -> memref<64xf32, #tpu.memory_space<vmem>>
      %dma_start3A_280 = tpu.memref_slice %arg7[%add3A_275] : memref<3072xf32, #tpu.memory_space<hbm>> -> memref<64xf32, #tpu.memory_space<hbm>>
      %dma_start3A_281 = tpu.memref_slice %arg7[%add3A_275] : memref<3072xf32, #tpu.memory_space<hbm>> -> memref<64xf32, #tpu.memory_space<hbm>>
      %dma_start3A_282 = arith.constant 0 : i32
      %dma_start3A_283 = tpu.memref_slice %arg11[%dma_start3A_276, %dma_start3A_282] : memref<4x64xf32, #tpu.memory_space<vmem>> -> memref<1x64xf32, #tpu.memory_space<vmem>>
      %dma_start3A_284 = tpu.memref_squeeze %dma_start3A_283 : memref<1x64xf32, #tpu.memory_space<vmem>> -> memref<64xf32, #tpu.memory_space<vmem>>
      tpu.enqueue_dma source(%dma_start3A_284 : memref<64xf32, #tpu.memory_space<vmem>>) target(%dma_start3A_281 : memref<64xf32, #tpu.memory_space<hbm>>) target_semaphore(%arg13 : memref<!tpu.dma_semaphore, #tpu.memory_space<semaphore_mem>>)
      %mul3A_285 = arith.constant 64 : i32
      %mul3A_286 = arith.muli %arg1, %mul3A_285 : i32
      %add3A_287 = arith.constant 768 : i32
      %add3A_288 = arith.addi %add3A_287, %mul3A_286 : i32
      %dma_start3A_289 = arith.constant 1 : i32
      %dma_start3A_290 = arith.constant 0 : i32
      %dma_start3A_291 = tpu.memref_slice %arg11[%dma_start3A_289, %dma_start3A_290] : memref<4x64xf32, #tpu.memory_space<vmem>> -> memref<1x64xf32, #tpu.memory_space<vmem>>
      %dma_start3A_292 = tpu.memref_squeeze %dma_start3A_291 : memref<1x64xf32, #tpu.memory_space<vmem>> -> memref<64xf32, #tpu.memory_space<vmem>>
      %dma_start3A_293 = tpu.memref_slice %arg7[%add3A_288] : memref<3072xf32, #tpu.memory_space<hbm>> -> memref<64xf32, #tpu.memory_space<hbm>>
      %dma_start3A_294 = tpu.memref_slice %arg7[%add3A_288] : memref<3072xf32, #tpu.memory_space<hbm>> -> memref<64xf32, #tpu.memory_space<hbm>>
      %dma_start3A_295 = arith.constant 0 : i32
      %dma_start3A_296 = tpu.memref_slice %arg11[%dma_start3A_289, %dma_start3A_295] : memref<4x64xf32, #tpu.memory_space<vmem>> -> memref<1x64xf32, #tpu.memory_space<vmem>>
      %dma_start3A_297 = tpu.memref_squeeze %dma_start3A_296 : memref<1x64xf32, #tpu.memory_space<vmem>> -> memref<64xf32, #tpu.memory_space<vmem>>
      tpu.enqueue_dma source(%dma_start3A_297 : memref<64xf32, #tpu.memory_space<vmem>>) target(%dma_start3A_294 : memref<64xf32, #tpu.memory_space<hbm>>) target_semaphore(%arg13 : memref<!tpu.dma_semaphore, #tpu.memory_space<semaphore_mem>>)
      %mul3A_298 = arith.constant 64 : i32
      %mul3A_299 = arith.muli %arg1, %mul3A_298 : i32
      %add3A_300 = arith.constant 1536 : i32
      %add3A_301 = arith.addi %add3A_300, %mul3A_299 : i32
      %dma_start3A_302 = arith.constant 2 : i32
      %dma_start3A_303 = arith.constant 0 : i32
      %dma_start3A_304 = tpu.memref_slice %arg11[%dma_start3A_302, %dma_start3A_303] : memref<4x64xf32, #tpu.memory_space<vmem>> -> memref<1x64xf32, #tpu.memory_space<vmem>>
      %dma_start3A_305 = tpu.memref_squeeze %dma_start3A_304 : memref<1x64xf32, #tpu.memory_space<vmem>> -> memref<64xf32, #tpu.memory_space<vmem>>
      %dma_start3A_306 = tpu.memref_slice %arg7[%add3A_301] : memref<3072xf32, #tpu.memory_space<hbm>> -> memref<64xf32, #tpu.memory_space<hbm>>
      %dma_start3A_307 = tpu.memref_slice %arg7[%add3A_301] : memref<3072xf32, #tpu.memory_space<hbm>> -> memref<64xf32, #tpu.memory_space<hbm>>
      %dma_start3A_308 = arith.constant 0 : i32
      %dma_start3A_309 = tpu.memref_slice %arg11[%dma_start3A_302, %dma_start3A_308] : memref<4x64xf32, #tpu.memory_space<vmem>> -> memref<1x64xf32, #tpu.memory_space<vmem>>
      %dma_start3A_310 = tpu.memref_squeeze %dma_start3A_309 : memref<1x64xf32, #tpu.memory_space<vmem>> -> memref<64xf32, #tpu.memory_space<vmem>>
      tpu.enqueue_dma source(%dma_start3A_310 : memref<64xf32, #tpu.memory_space<vmem>>) target(%dma_start3A_307 : memref<64xf32, #tpu.memory_space<hbm>>) target_semaphore(%arg13 : memref<!tpu.dma_semaphore, #tpu.memory_space<semaphore_mem>>)
      %mul3A_311 = arith.constant 64 : i32
      %mul3A_312 = arith.muli %arg1, %mul3A_311 : i32
      %add3A_313 = arith.constant 2304 : i32
      %add3A_314 = arith.addi %add3A_313, %mul3A_312 : i32
      %dma_start3A_315 = arith.constant 3 : i32
      %dma_start3A_316 = arith.constant 0 : i32
      %dma_start3A_317 = tpu.memref_slice %arg11[%dma_start3A_315, %dma_start3A_316] : memref<4x64xf32, #tpu.memory_space<vmem>> -> memref<1x64xf32, #tpu.memory_space<vmem>>
      %dma_start3A_318 = tpu.memref_squeeze %dma_start3A_317 : memref<1x64xf32, #tpu.memory_space<vmem>> -> memref<64xf32, #tpu.memory_space<vmem>>
      %dma_start3A_319 = tpu.memref_slice %arg7[%add3A_314] : memref<3072xf32, #tpu.memory_space<hbm>> -> memref<64xf32, #tpu.memory_space<hbm>>
      %dma_start3A_320 = tpu.memref_slice %arg7[%add3A_314] : memref<3072xf32, #tpu.memory_space<hbm>> -> memref<64xf32, #tpu.memory_space<hbm>>
      %dma_start3A_321 = arith.constant 0 : i32
      %dma_start3A_322 = tpu.memref_slice %arg11[%dma_start3A_315, %dma_start3A_321] : memref<4x64xf32, #tpu.memory_space<vmem>> -> memref<1x64xf32, #tpu.memory_space<vmem>>
      %dma_start3A_323 = tpu.memref_squeeze %dma_start3A_322 : memref<1x64xf32, #tpu.memory_space<vmem>> -> memref<64xf32, #tpu.memory_space<vmem>>
      tpu.enqueue_dma source(%dma_start3A_323 : memref<64xf32, #tpu.memory_space<vmem>>) target(%dma_start3A_320 : memref<64xf32, #tpu.memory_space<hbm>>) target_semaphore(%arg13 : memref<!tpu.dma_semaphore, #tpu.memory_space<semaphore_mem>>)
      %dma_wait3A_324 = arith.constant 0 : i32
      %dma_wait3A_325 = arith.constant 0 : i32
      %dma_wait3A_326 = tpu.memref_slice %arg11[%dma_wait3A_324, %dma_wait3A_325] : memref<4x64xf32, #tpu.memory_space<vmem>> -> memref<1x64xf32, #tpu.memory_space<vmem>>
      %dma_wait3A_327 = tpu.memref_squeeze %dma_wait3A_326 : memref<1x64xf32, #tpu.memory_space<vmem>> -> memref<64xf32, #tpu.memory_space<vmem>>
      %dma_wait3A_328 = tpu.memref_slice %arg7[%add3A_275] : memref<3072xf32, #tpu.memory_space<hbm>> -> memref<64xf32, #tpu.memory_space<hbm>>
      %dma_wait3A_329 = tpu.memref_slice %arg7[%add3A_275] : memref<3072xf32, #tpu.memory_space<hbm>> -> memref<64xf32, #tpu.memory_space<hbm>>
      %dma_wait3A_330 = arith.constant 0 : i32
      %dma_wait3A_331 = tpu.memref_slice %arg11[%dma_wait3A_324, %dma_wait3A_330] : memref<4x64xf32, #tpu.memory_space<vmem>> -> memref<1x64xf32, #tpu.memory_space<vmem>>
      %dma_wait3A_332 = tpu.memref_squeeze %dma_wait3A_331 : memref<1x64xf32, #tpu.memory_space<vmem>> -> memref<64xf32, #tpu.memory_space<vmem>>
      tpu.wait_dma2 semaphore(%arg13 : memref<!tpu.dma_semaphore, #tpu.memory_space<semaphore_mem>>) src(%dma_wait3A_332 : memref<64xf32, #tpu.memory_space<vmem>>) dst(%dma_wait3A_329 : memref<64xf32, #tpu.memory_space<hbm>>)
      %dma_wait3A_333 = arith.constant 1 : i32
      %dma_wait3A_334 = arith.constant 0 : i32
      %dma_wait3A_335 = tpu.memref_slice %arg11[%dma_wait3A_333, %dma_wait3A_334] : memref<4x64xf32, #tpu.memory_space<vmem>> -> memref<1x64xf32, #tpu.memory_space<vmem>>
      %dma_wait3A_336 = tpu.memref_squeeze %dma_wait3A_335 : memref<1x64xf32, #tpu.memory_space<vmem>> -> memref<64xf32, #tpu.memory_space<vmem>>
      %dma_wait3A_337 = tpu.memref_slice %arg7[%add3A_288] : memref<3072xf32, #tpu.memory_space<hbm>> -> memref<64xf32, #tpu.memory_space<hbm>>
      %dma_wait3A_338 = tpu.memref_slice %arg7[%add3A_288] : memref<3072xf32, #tpu.memory_space<hbm>> -> memref<64xf32, #tpu.memory_space<hbm>>
      %dma_wait3A_339 = arith.constant 0 : i32
      %dma_wait3A_340 = tpu.memref_slice %arg11[%dma_wait3A_333, %dma_wait3A_339] : memref<4x64xf32, #tpu.memory_space<vmem>> -> memref<1x64xf32, #tpu.memory_space<vmem>>
      %dma_wait3A_341 = tpu.memref_squeeze %dma_wait3A_340 : memref<1x64xf32, #tpu.memory_space<vmem>> -> memref<64xf32, #tpu.memory_space<vmem>>
      tpu.wait_dma2 semaphore(%arg13 : memref<!tpu.dma_semaphore, #tpu.memory_space<semaphore_mem>>) src(%dma_wait3A_341 : memref<64xf32, #tpu.memory_space<vmem>>) dst(%dma_wait3A_338 : memref<64xf32, #tpu.memory_space<hbm>>)
      %dma_wait3A_342 = arith.constant 2 : i32
      %dma_wait3A_343 = arith.constant 0 : i32
      %dma_wait3A_344 = tpu.memref_slice %arg11[%dma_wait3A_342, %dma_wait3A_343] : memref<4x64xf32, #tpu.memory_space<vmem>> -> memref<1x64xf32, #tpu.memory_space<vmem>>
      %dma_wait3A_345 = tpu.memref_squeeze %dma_wait3A_344 : memref<1x64xf32, #tpu.memory_space<vmem>> -> memref<64xf32, #tpu.memory_space<vmem>>
      %dma_wait3A_346 = tpu.memref_slice %arg7[%add3A_301] : memref<3072xf32, #tpu.memory_space<hbm>> -> memref<64xf32, #tpu.memory_space<hbm>>
      %dma_wait3A_347 = tpu.memref_slice %arg7[%add3A_301] : memref<3072xf32, #tpu.memory_space<hbm>> -> memref<64xf32, #tpu.memory_space<hbm>>
      %dma_wait3A_348 = arith.constant 0 : i32
      %dma_wait3A_349 = tpu.memref_slice %arg11[%dma_wait3A_342, %dma_wait3A_348] : memref<4x64xf32, #tpu.memory_space<vmem>> -> memref<1x64xf32, #tpu.memory_space<vmem>>
      %dma_wait3A_350 = tpu.memref_squeeze %dma_wait3A_349 : memref<1x64xf32, #tpu.memory_space<vmem>> -> memref<64xf32, #tpu.memory_space<vmem>>
      tpu.wait_dma2 semaphore(%arg13 : memref<!tpu.dma_semaphore, #tpu.memory_space<semaphore_mem>>) src(%dma_wait3A_350 : memref<64xf32, #tpu.memory_space<vmem>>) dst(%dma_wait3A_347 : memref<64xf32, #tpu.memory_space<hbm>>)
      %dma_wait3A_351 = arith.constant 3 : i32
      %dma_wait3A_352 = arith.constant 0 : i32
      %dma_wait3A_353 = tpu.memref_slice %arg11[%dma_wait3A_351, %dma_wait3A_352] : memref<4x64xf32, #tpu.memory_space<vmem>> -> memref<1x64xf32, #tpu.memory_space<vmem>>
      %dma_wait3A_354 = tpu.memref_squeeze %dma_wait3A_353 : memref<1x64xf32, #tpu.memory_space<vmem>> -> memref<64xf32, #tpu.memory_space<vmem>>
      %dma_wait3A_355 = tpu.memref_slice %arg7[%add3A_314] : memref<3072xf32, #tpu.memory_space<hbm>> -> memref<64xf32, #tpu.memory_space<hbm>>
      %dma_wait3A_356 = tpu.memref_slice %arg7[%add3A_314] : memref<3072xf32, #tpu.memory_space<hbm>> -> memref<64xf32, #tpu.memory_space<hbm>>
      %dma_wait3A_357 = arith.constant 0 : i32
      %dma_wait3A_358 = tpu.memref_slice %arg11[%dma_wait3A_351, %dma_wait3A_357] : memref<4x64xf32, #tpu.memory_space<vmem>> -> memref<1x64xf32, #tpu.memory_space<vmem>>
      %dma_wait3A_359 = tpu.memref_squeeze %dma_wait3A_358 : memref<1x64xf32, #tpu.memory_space<vmem>> -> memref<64xf32, #tpu.memory_space<vmem>>
      tpu.wait_dma2 semaphore(%arg13 : memref<!tpu.dma_semaphore, #tpu.memory_space<semaphore_mem>>) src(%dma_wait3A_359 : memref<64xf32, #tpu.memory_space<vmem>>) dst(%dma_wait3A_356 : memref<64xf32, #tpu.memory_space<hbm>>)
    } else {
    }
    return
  }
}

module attributes {stable_mosaic.version = 14 : i64} {
  func.func @_nms_body(%arg0: memref<4x20000xf32, #tpu.memory_space<vmem>>, %arg1: memref<1x8xi32, #tpu.memory_space<vmem>>, %arg2: memref<3xi32, #tpu.memory_space<vmem>>, %arg3: memref<3x3xf32, #tpu.memory_space<vmem>>, %arg4: memref<61440xf32, #tpu.memory_space<vmem>>) attributes {dimension_semantics = [], scalar_prefetch = 0 : i64, scratch_operands = 0 : i64, tpu.core_type = #tpu.core_type<tc>} {
    %get3A = arith.constant 0 : index
    %get3A_0 = arith.constant 0 : index
    %get3A_1 = vector.load %arg0[%get3A, %get3A_0] : memref<4x20000xf32, #tpu.memory_space<vmem>>, vector<1x20000xf32>
    %get3A_2 = arith.constant 1 : index
    %get3A_3 = arith.constant 0 : index
    %get3A_4 = vector.load %arg0[%get3A_2, %get3A_3] : memref<4x20000xf32, #tpu.memory_space<vmem>>, vector<1x20000xf32>
    %get3A_5 = arith.constant 2 : index
    %get3A_6 = arith.constant 0 : index
    %get3A_7 = vector.load %arg0[%get3A_5, %get3A_6] : memref<4x20000xf32, #tpu.memory_space<vmem>>, vector<1x20000xf32>
    %get3A_8 = arith.constant 3 : index
    %get3A_9 = arith.constant 0 : index
    %get3A_10 = vector.load %arg0[%get3A_8, %get3A_9] : memref<4x20000xf32, #tpu.memory_space<vmem>>, vector<1x20000xf32>
    %mul3A = arith.mulf %get3A_4, %get3A_4 : vector<1x20000xf32>
    %mul3A_11 = arith.mulf %get3A_7, %get3A_7 : vector<1x20000xf32>
    %add3A = arith.addf %mul3A, %mul3A_11 : vector<1x20000xf32>
    %mul3A_12 = arith.mulf %get3A_10, %get3A_10 : vector<1x20000xf32>
    %add3A_13 = arith.addf %add3A, %mul3A_12 : vector<1x20000xf32>
    %sqrt3A = math.sqrt %add3A_13 : vector<1x20000xf32>
    %add3A_14 = arith.constant 9.99999996E-13 : f32
    %add3A_15 = vector.broadcast %add3A_14 : f32 to vector<1x20000xf32>
    %add3A_16 = arith.addf %sqrt3A, %add3A_15 : vector<1x20000xf32>
    %div3A = arith.divf %get3A_4, %add3A_16 : vector<1x20000xf32>
    %div3A_17 = arith.divf %get3A_7, %add3A_16 : vector<1x20000xf32>
    %div3A_18 = arith.divf %get3A_10, %add3A_16 : vector<1x20000xf32>
    %reshape3A = vector.shape_cast %get3A_4 : vector<1x20000xf32> to vector<20000xf32>
    %swap3A = arith.constant 0 : index
    %swap3A_19 = vector.load %arg4[%swap3A] : memref<61440xf32, #tpu.memory_space<vmem>>, vector<20000xf32>
    tpu.vector_store %arg4[%swap3A], %reshape3A {strides = array<i32>} : memref<61440xf32, #tpu.memory_space<vmem>>, vector<20000xf32>,
    %reshape3A_20 = vector.shape_cast %get3A_7 : vector<1x20000xf32> to vector<20000xf32>
    %swap3A_21 = arith.constant 20480 : index
    %swap3A_22 = vector.load %arg4[%swap3A_21] : memref<61440xf32, #tpu.memory_space<vmem>>, vector<20000xf32>
    tpu.vector_store %arg4[%swap3A_21], %reshape3A_20 {strides = array<i32>} : memref<61440xf32, #tpu.memory_space<vmem>>, vector<20000xf32>,
    %reshape3A_23 = vector.shape_cast %get3A_10 : vector<1x20000xf32> to vector<20000xf32>
    %swap3A_24 = arith.constant 40960 : index
    %swap3A_25 = vector.load %arg4[%swap3A_24] : memref<61440xf32, #tpu.memory_space<vmem>>, vector<20000xf32>
    tpu.vector_store %arg4[%swap3A_24], %reshape3A_23 {strides = array<i32>} : memref<61440xf32, #tpu.memory_space<vmem>>, vector<20000xf32>,
    %iota3A = tpu.iota {dimensions = array<i32: 1>} : vector<1x20000xi32>
    %reduce_max3A = vector.shape_cast %get3A_1 : vector<1x20000xf32> to vector<1x1x20000xf32>
    %reduce_max3A_26 = arith.constant dense<0xFF800000> : vector<1xf32>
    %reduce_max3A_27 = vector.multi_reduction <maximumf>, %reduce_max3A, %reduce_max3A_26 [1, 2] : vector<1x1x20000xf32> to vector<1xf32>
    %reduce_max3A_28 = vector.shape_cast %reduce_max3A_27 : vector<1xf32> to vector<1x1x1xf32>
    %reduce_max3A_29 = vector.extract %reduce_max3A_28[0, 0, 0] : f32 from vector<1x1x1xf32>
    %eq3A = vector.broadcast %reduce_max3A_29 : f32 to vector<1x20000xf32>
    %eq3A_30 = arith.cmpf oeq, %get3A_1, %eq3A : vector<1x20000xf32>
    %jit3A = arith.constant 2147483647 : i32
    %broadcast_in_dim3A = vector.broadcast %jit3A : i32 to vector<1x20000xi32>
    %select_n3A = arith.select %eq3A_30, %iota3A, %broadcast_in_dim3A : vector<1x20000xi1>, vector<1x20000xi32>
    %reduce_min3A = vector.shape_cast %select_n3A : vector<1x20000xi32> to vector<1x1x20000xi32>
    %reduce_min3A_31 = arith.constant dense<2147483647> : vector<1xi32>
    %reduce_min3A_32 = vector.multi_reduction <minsi>, %reduce_min3A, %reduce_min3A_31 [1, 2] : vector<1x1x20000xi32> to vector<1xi32>
    %reduce_min3A_33 = vector.shape_cast %reduce_min3A_32 : vector<1xi32> to vector<1x1x1xi32>
    %reduce_min3A_34 = vector.extract %reduce_min3A_33[0, 0, 0] : i32 from vector<1x1x1xi32>
    %eq3A_35 = vector.broadcast %reduce_min3A_34 : i32 to vector<1x20000xi32>
    %eq3A_36 = arith.cmpi eq, %iota3A, %eq3A_35 : vector<1x20000xi32>
    %jit3A_37 = arith.constant 0.000000e+00 : f32
    %broadcast_in_dim3A_38 = vector.broadcast %jit3A_37 : f32 to vector<1x20000xf32>
    %select_n3A_39 = arith.select %eq3A_36, %div3A, %broadcast_in_dim3A_38 : vector<1x20000xi1>, vector<1x20000xf32>
    %reduce_sum3A = vector.shape_cast %select_n3A_39 : vector<1x20000xf32> to vector<1x1x20000xf32>
    %reduce_sum3A_40 = arith.constant dense<0.000000e+00> : vector<1xf32>
    %reduce_sum3A_41 = vector.multi_reduction <add>, %reduce_sum3A, %reduce_sum3A_40 [1, 2] : vector<1x1x20000xf32> to vector<1xf32>
    %reduce_sum3A_42 = vector.shape_cast %reduce_sum3A_41 : vector<1xf32> to vector<1x1x1xf32>
    %reduce_sum3A_43 = vector.extract %reduce_sum3A_42[0, 0, 0] : f32 from vector<1x1x1xf32>
    %jit3A_44 = arith.constant 0.000000e+00 : f32
    %broadcast_in_dim3A_45 = vector.broadcast %jit3A_44 : f32 to vector<1x20000xf32>
    %select_n3A_46 = arith.select %eq3A_36, %div3A_17, %broadcast_in_dim3A_45 : vector<1x20000xi1>, vector<1x20000xf32>
    %reduce_sum3A_47 = vector.shape_cast %select_n3A_46 : vector<1x20000xf32> to vector<1x1x20000xf32>
    %reduce_sum3A_48 = arith.constant dense<0.000000e+00> : vector<1xf32>
    %reduce_sum3A_49 = vector.multi_reduction <add>, %reduce_sum3A_47, %reduce_sum3A_48 [1, 2] : vector<1x1x20000xf32> to vector<1xf32>
    %reduce_sum3A_50 = vector.shape_cast %reduce_sum3A_49 : vector<1xf32> to vector<1x1x1xf32>
    %reduce_sum3A_51 = vector.extract %reduce_sum3A_50[0, 0, 0] : f32 from vector<1x1x1xf32>
    %jit3A_52 = arith.constant 0.000000e+00 : f32
    %broadcast_in_dim3A_53 = vector.broadcast %jit3A_52 : f32 to vector<1x20000xf32>
    %select_n3A_54 = arith.select %eq3A_36, %div3A_18, %broadcast_in_dim3A_53 : vector<1x20000xi1>, vector<1x20000xf32>
    %reduce_sum3A_55 = vector.shape_cast %select_n3A_54 : vector<1x20000xf32> to vector<1x1x20000xf32>
    %reduce_sum3A_56 = arith.constant dense<0.000000e+00> : vector<1xf32>
    %reduce_sum3A_57 = vector.multi_reduction <add>, %reduce_sum3A_55, %reduce_sum3A_56 [1, 2] : vector<1x1x20000xf32> to vector<1xf32>
    %reduce_sum3A_58 = vector.shape_cast %reduce_sum3A_57 : vector<1xf32> to vector<1x1x1xf32>
    %reduce_sum3A_59 = vector.extract %reduce_sum3A_58[0, 0, 0] : f32 from vector<1x1x1xf32>
    %mul3A_60 = vector.broadcast %reduce_sum3A_43 : f32 to vector<1x20000xf32>
    %mul3A_61 = arith.mulf %div3A, %mul3A_60 : vector<1x20000xf32>
    %mul3A_62 = vector.broadcast %reduce_sum3A_51 : f32 to vector<1x20000xf32>
    %mul3A_63 = arith.mulf %div3A_17, %mul3A_62 : vector<1x20000xf32>
    %add3A_64 = arith.addf %mul3A_61, %mul3A_63 : vector<1x20000xf32>
    %mul3A_65 = vector.broadcast %reduce_sum3A_59 : f32 to vector<1x20000xf32>
    %mul3A_66 = arith.mulf %div3A_18, %mul3A_65 : vector<1x20000xf32>
    %add3A_67 = arith.addf %add3A_64, %mul3A_66 : vector<1x20000xf32>
    %abs3A = math.absf %add3A_67 : vector<1x20000xf32>
    %gt3A = arith.constant 0.99619472 : f32
    %gt3A_68 = vector.broadcast %gt3A : f32 to vector<1x20000xf32>
    %gt3A_69 = arith.cmpf ogt, %abs3A, %gt3A_68 : vector<1x20000xf32>
    %jit3A_70 = arith.constant 0xFF800000 : f32
    %broadcast_in_dim3A_71 = vector.broadcast %jit3A_70 : f32 to vector<1x20000xf32>
    %select_n3A_72 = arith.select %gt3A_69, %broadcast_in_dim3A_71, %get3A_1 : vector<1x20000xi1>, vector<1x20000xf32>
    %reduce_max3A_73 = vector.shape_cast %select_n3A_72 : vector<1x20000xf32> to vector<1x1x20000xf32>
    %reduce_max3A_74 = arith.constant dense<0xFF800000> : vector<1xf32>
    %reduce_max3A_75 = vector.multi_reduction <maximumf>, %reduce_max3A_73, %reduce_max3A_74 [1, 2] : vector<1x1x20000xf32> to vector<1xf32>
    %reduce_max3A_76 = vector.shape_cast %reduce_max3A_75 : vector<1xf32> to vector<1x1x1xf32>
    %reduce_max3A_77 = vector.extract %reduce_max3A_76[0, 0, 0] : f32 from vector<1x1x1xf32>
    %eq3A_78 = vector.broadcast %reduce_max3A_77 : f32 to vector<1x20000xf32>
    %eq3A_79 = arith.cmpf oeq, %select_n3A_72, %eq3A_78 : vector<1x20000xf32>
    %jit3A_80 = arith.constant 2147483647 : i32
    %broadcast_in_dim3A_81 = vector.broadcast %jit3A_80 : i32 to vector<1x20000xi32>
    %select_n3A_82 = arith.select %eq3A_79, %iota3A, %broadcast_in_dim3A_81 : vector<1x20000xi1>, vector<1x20000xi32>
    %reduce_min3A_83 = vector.shape_cast %select_n3A_82 : vector<1x20000xi32> to vector<1x1x20000xi32>
    %reduce_min3A_84 = arith.constant dense<2147483647> : vector<1xi32>
    %reduce_min3A_85 = vector.multi_reduction <minsi>, %reduce_min3A_83, %reduce_min3A_84 [1, 2] : vector<1x1x20000xi32> to vector<1xi32>
    %reduce_min3A_86 = vector.shape_cast %reduce_min3A_85 : vector<1xi32> to vector<1x1x1xi32>
    %reduce_min3A_87 = vector.extract %reduce_min3A_86[0, 0, 0] : i32 from vector<1x1x1xi32>
    %eq3A_88 = vector.broadcast %reduce_min3A_87 : i32 to vector<1x20000xi32>
    %eq3A_89 = arith.cmpi eq, %iota3A, %eq3A_88 : vector<1x20000xi32>
    %jit3A_90 = arith.constant 0.000000e+00 : f32
    %broadcast_in_dim3A_91 = vector.broadcast %jit3A_90 : f32 to vector<1x20000xf32>
    %select_n3A_92 = arith.select %eq3A_89, %div3A, %broadcast_in_dim3A_91 : vector<1x20000xi1>, vector<1x20000xf32>
    %reduce_sum3A_93 = vector.shape_cast %select_n3A_92 : vector<1x20000xf32> to vector<1x1x20000xf32>
    %reduce_sum3A_94 = arith.constant dense<0.000000e+00> : vector<1xf32>
    %reduce_sum3A_95 = vector.multi_reduction <add>, %reduce_sum3A_93, %reduce_sum3A_94 [1, 2] : vector<1x1x20000xf32> to vector<1xf32>
    %reduce_sum3A_96 = vector.shape_cast %reduce_sum3A_95 : vector<1xf32> to vector<1x1x1xf32>
    %reduce_sum3A_97 = vector.extract %reduce_sum3A_96[0, 0, 0] : f32 from vector<1x1x1xf32>
    %jit3A_98 = arith.constant 0.000000e+00 : f32
    %broadcast_in_dim3A_99 = vector.broadcast %jit3A_98 : f32 to vector<1x20000xf32>
    %select_n3A_100 = arith.select %eq3A_89, %div3A_17, %broadcast_in_dim3A_99 : vector<1x20000xi1>, vector<1x20000xf32>
    %reduce_sum3A_101 = vector.shape_cast %select_n3A_100 : vector<1x20000xf32> to vector<1x1x20000xf32>
    %reduce_sum3A_102 = arith.constant dense<0.000000e+00> : vector<1xf32>
    %reduce_sum3A_103 = vector.multi_reduction <add>, %reduce_sum3A_101, %reduce_sum3A_102 [1, 2] : vector<1x1x20000xf32> to vector<1xf32>
    %reduce_sum3A_104 = vector.shape_cast %reduce_sum3A_103 : vector<1xf32> to vector<1x1x1xf32>
    %reduce_sum3A_105 = vector.extract %reduce_sum3A_104[0, 0, 0] : f32 from vector<1x1x1xf32>
    %jit3A_106 = arith.constant 0.000000e+00 : f32
    %broadcast_in_dim3A_107 = vector.broadcast %jit3A_106 : f32 to vector<1x20000xf32>
    %select_n3A_108 = arith.select %eq3A_89, %div3A_18, %broadcast_in_dim3A_107 : vector<1x20000xi1>, vector<1x20000xf32>
    %reduce_sum3A_109 = vector.shape_cast %select_n3A_108 : vector<1x20000xf32> to vector<1x1x20000xf32>
    %reduce_sum3A_110 = arith.constant dense<0.000000e+00> : vector<1xf32>
    %reduce_sum3A_111 = vector.multi_reduction <add>, %reduce_sum3A_109, %reduce_sum3A_110 [1, 2] : vector<1x1x20000xf32> to vector<1xf32>
    %reduce_sum3A_112 = vector.shape_cast %reduce_sum3A_111 : vector<1xf32> to vector<1x1x1xf32>
    %reduce_sum3A_113 = vector.extract %reduce_sum3A_112[0, 0, 0] : f32 from vector<1x1x1xf32>
    %mul3A_114 = vector.broadcast %reduce_sum3A_97 : f32 to vector<1x20000xf32>
    %mul3A_115 = arith.mulf %div3A, %mul3A_114 : vector<1x20000xf32>
    %mul3A_116 = vector.broadcast %reduce_sum3A_105 : f32 to vector<1x20000xf32>
    %mul3A_117 = arith.mulf %div3A_17, %mul3A_116 : vector<1x20000xf32>
    %add3A_118 = arith.addf %mul3A_115, %mul3A_117 : vector<1x20000xf32>
    %mul3A_119 = vector.broadcast %reduce_sum3A_113 : f32 to vector<1x20000xf32>
    %mul3A_120 = arith.mulf %div3A_18, %mul3A_119 : vector<1x20000xf32>
    %add3A_121 = arith.addf %add3A_118, %mul3A_120 : vector<1x20000xf32>
    %abs3A_122 = math.absf %add3A_121 : vector<1x20000xf32>
    %gt3A_123 = arith.constant 0.99619472 : f32
    %gt3A_124 = vector.broadcast %gt3A_123 : f32 to vector<1x20000xf32>
    %gt3A_125 = arith.cmpf ogt, %abs3A_122, %gt3A_124 : vector<1x20000xf32>
    %jit3A_126 = arith.constant 0xFF800000 : f32
    %broadcast_in_dim3A_127 = vector.broadcast %jit3A_126 : f32 to vector<1x20000xf32>
    %select_n3A_128 = arith.select %gt3A_125, %broadcast_in_dim3A_127, %select_n3A_72 : vector<1x20000xi1>, vector<1x20000xf32>
    %reduce_max3A_129 = vector.shape_cast %select_n3A_128 : vector<1x20000xf32> to vector<1x1x20000xf32>
    %reduce_max3A_130 = arith.constant dense<0xFF800000> : vector<1xf32>
    %reduce_max3A_131 = vector.multi_reduction <maximumf>, %reduce_max3A_129, %reduce_max3A_130 [1, 2] : vector<1x1x20000xf32> to vector<1xf32>
    %reduce_max3A_132 = vector.shape_cast %reduce_max3A_131 : vector<1xf32> to vector<1x1x1xf32>
    %reduce_max3A_133 = vector.extract %reduce_max3A_132[0, 0, 0] : f32 from vector<1x1x1xf32>
    %eq3A_134 = vector.broadcast %reduce_max3A_133 : f32 to vector<1x20000xf32>
    %eq3A_135 = arith.cmpf oeq, %select_n3A_128, %eq3A_134 : vector<1x20000xf32>
    %jit3A_136 = arith.constant 2147483647 : i32
    %broadcast_in_dim3A_137 = vector.broadcast %jit3A_136 : i32 to vector<1x20000xi32>
    %select_n3A_138 = arith.select %eq3A_135, %iota3A, %broadcast_in_dim3A_137 : vector<1x20000xi1>, vector<1x20000xi32>
    %reduce_min3A_139 = vector.shape_cast %select_n3A_138 : vector<1x20000xi32> to vector<1x1x20000xi32>
    %reduce_min3A_140 = arith.constant dense<2147483647> : vector<1xi32>
    %reduce_min3A_141 = vector.multi_reduction <minsi>, %reduce_min3A_139, %reduce_min3A_140 [1, 2] : vector<1x1x20000xi32> to vector<1xi32>
    %reduce_min3A_142 = vector.shape_cast %reduce_min3A_141 : vector<1xi32> to vector<1x1x1xi32>
    %reduce_min3A_143 = vector.extract %reduce_min3A_142[0, 0, 0] : i32 from vector<1x1x1xi32>
    %eq3A_144 = vector.broadcast %reduce_min3A_143 : i32 to vector<1x20000xi32>
    %eq3A_145 = arith.cmpi eq, %iota3A, %eq3A_144 : vector<1x20000xi32>
    %jit3A_146 = arith.constant 0.000000e+00 : f32
    %broadcast_in_dim3A_147 = vector.broadcast %jit3A_146 : f32 to vector<1x20000xf32>
    %select_n3A_148 = arith.select %eq3A_145, %div3A, %broadcast_in_dim3A_147 : vector<1x20000xi1>, vector<1x20000xf32>
    %reduce_sum3A_149 = vector.shape_cast %select_n3A_148 : vector<1x20000xf32> to vector<1x1x20000xf32>
    %reduce_sum3A_150 = arith.constant dense<0.000000e+00> : vector<1xf32>
    %reduce_sum3A_151 = vector.multi_reduction <add>, %reduce_sum3A_149, %reduce_sum3A_150 [1, 2] : vector<1x1x20000xf32> to vector<1xf32>
    %reduce_sum3A_152 = vector.shape_cast %reduce_sum3A_151 : vector<1xf32> to vector<1x1x1xf32>
    %reduce_sum3A_153 = vector.extract %reduce_sum3A_152[0, 0, 0] : f32 from vector<1x1x1xf32>
    %jit3A_154 = arith.constant 0.000000e+00 : f32
    %broadcast_in_dim3A_155 = vector.broadcast %jit3A_154 : f32 to vector<1x20000xf32>
    %select_n3A_156 = arith.select %eq3A_145, %div3A_17, %broadcast_in_dim3A_155 : vector<1x20000xi1>, vector<1x20000xf32>
    %reduce_sum3A_157 = vector.shape_cast %select_n3A_156 : vector<1x20000xf32> to vector<1x1x20000xf32>
    %reduce_sum3A_158 = arith.constant dense<0.000000e+00> : vector<1xf32>
    %reduce_sum3A_159 = vector.multi_reduction <add>, %reduce_sum3A_157, %reduce_sum3A_158 [1, 2] : vector<1x1x20000xf32> to vector<1xf32>
    %reduce_sum3A_160 = vector.shape_cast %reduce_sum3A_159 : vector<1xf32> to vector<1x1x1xf32>
    %reduce_sum3A_161 = vector.extract %reduce_sum3A_160[0, 0, 0] : f32 from vector<1x1x1xf32>
    %jit3A_162 = arith.constant 0.000000e+00 : f32
    %broadcast_in_dim3A_163 = vector.broadcast %jit3A_162 : f32 to vector<1x20000xf32>
    %select_n3A_164 = arith.select %eq3A_145, %div3A_18, %broadcast_in_dim3A_163 : vector<1x20000xi1>, vector<1x20000xf32>
    %reduce_sum3A_165 = vector.shape_cast %select_n3A_164 : vector<1x20000xf32> to vector<1x1x20000xf32>
    %reduce_sum3A_166 = arith.constant dense<0.000000e+00> : vector<1xf32>
    %reduce_sum3A_167 = vector.multi_reduction <add>, %reduce_sum3A_165, %reduce_sum3A_166 [1, 2] : vector<1x1x20000xf32> to vector<1xf32>
    %reduce_sum3A_168 = vector.shape_cast %reduce_sum3A_167 : vector<1xf32> to vector<1x1x1xf32>
    %reduce_sum3A_169 = vector.extract %reduce_sum3A_168[0, 0, 0] : f32 from vector<1x1x1xf32>
    %iota3A_170 = tpu.iota {dimensions = array<i32: 1>} : vector<1x8xi32>
    %eq3A_171 = arith.constant 1 : i32
    %eq3A_172 = vector.broadcast %eq3A_171 : i32 to vector<1x8xi32>
    %eq3A_173 = arith.cmpi eq, %iota3A_170, %eq3A_172 : vector<1x8xi32>
    %broadcast_in_dim3A_174 = vector.broadcast %reduce_min3A_87 : i32 to vector<1x8xi32>
    %broadcast_in_dim3A_175 = vector.broadcast %reduce_min3A_34 : i32 to vector<1x8xi32>
    %select_n3A_176 = arith.select %eq3A_173, %broadcast_in_dim3A_174, %broadcast_in_dim3A_175 : vector<1x8xi1>, vector<1x8xi32>
    %eq3A_177 = arith.constant 2 : i32
    %eq3A_178 = vector.broadcast %eq3A_177 : i32 to vector<1x8xi32>
    %eq3A_179 = arith.cmpi eq, %iota3A_170, %eq3A_178 : vector<1x8xi32>
    %broadcast_in_dim3A_180 = vector.broadcast %reduce_min3A_143 : i32 to vector<1x8xi32>
    %select_n3A_181 = arith.select %eq3A_179, %broadcast_in_dim3A_180, %select_n3A_176 : vector<1x8xi1>, vector<1x8xi32>
    %swap3A_182 = arith.constant 0 : index
    %swap3A_183 = arith.constant 0 : index
    %swap3A_184 = vector.load %arg1[%swap3A_182, %swap3A_183] : memref<1x8xi32, #tpu.memory_space<vmem>>, vector<1x8xi32>
    tpu.vector_store %arg1[%swap3A_182, %swap3A_183], %select_n3A_181 {strides = array<i32>} : memref<1x8xi32, #tpu.memory_space<vmem>>, vector<1x8xi32>,
    %slice3A = vector.extract_strided_slice %select_n3A_181 {offsets = [0, 0], sizes = [1, 3], strides = [1, 1]} : vector<1x8xi32> to vector<1x3xi32>
    %reshape3A_185 = vector.shape_cast %slice3A : vector<1x3xi32> to vector<3xi32>
    %swap3A_186 = arith.constant 0 : index
    %swap3A_187 = vector.load %arg2[%swap3A_186] : memref<3xi32, #tpu.memory_space<vmem>>, vector<3xi32>
    tpu.vector_store %arg2[%swap3A_186], %reshape3A_185 {strides = array<i32>} : memref<3xi32, #tpu.memory_space<vmem>>, vector<3xi32>,
    %iota3A_188 = tpu.iota {dimensions = array<i32: 1>} : vector<1x3xi32>
    %eq3A_189 = arith.constant 0 : i32
    %eq3A_190 = vector.broadcast %eq3A_189 : i32 to vector<1x3xi32>
    %eq3A_191 = arith.cmpi eq, %iota3A_188, %eq3A_190 : vector<1x3xi32>
    %eq3A_192 = arith.constant 1 : i32
    %eq3A_193 = vector.broadcast %eq3A_192 : i32 to vector<1x3xi32>
    %eq3A_194 = arith.cmpi eq, %iota3A_188, %eq3A_193 : vector<1x3xi32>
    %broadcast_in_dim3A_195 = vector.broadcast %reduce_sum3A_51 : f32 to vector<1x3xf32>
    %broadcast_in_dim3A_196 = vector.broadcast %reduce_sum3A_59 : f32 to vector<1x3xf32>
    %select_n3A_197 = arith.select %eq3A_194, %broadcast_in_dim3A_195, %broadcast_in_dim3A_196 : vector<1x3xi1>, vector<1x3xf32>
    %broadcast_in_dim3A_198 = vector.broadcast %reduce_sum3A_43 : f32 to vector<1x3xf32>
    %select_n3A_199 = arith.select %eq3A_191, %broadcast_in_dim3A_198, %select_n3A_197 : vector<1x3xi1>, vector<1x3xf32>
    %swap3A_200 = arith.constant 0 : index
    %swap3A_201 = arith.constant 0 : index
    %swap3A_202 = vector.load %arg3[%swap3A_200, %swap3A_201] : memref<3x3xf32, #tpu.memory_space<vmem>>, vector<1x3xf32>
    tpu.vector_store %arg3[%swap3A_200, %swap3A_201], %select_n3A_199 {strides = array<i32>} : memref<3x3xf32, #tpu.memory_space<vmem>>, vector<1x3xf32>,
    %eq3A_203 = arith.constant 0 : i32
    %eq3A_204 = vector.broadcast %eq3A_203 : i32 to vector<1x3xi32>
    %eq3A_205 = arith.cmpi eq, %iota3A_188, %eq3A_204 : vector<1x3xi32>
    %eq3A_206 = arith.constant 1 : i32
    %eq3A_207 = vector.broadcast %eq3A_206 : i32 to vector<1x3xi32>
    %eq3A_208 = arith.cmpi eq, %iota3A_188, %eq3A_207 : vector<1x3xi32>
    %broadcast_in_dim3A_209 = vector.broadcast %reduce_sum3A_105 : f32 to vector<1x3xf32>
    %broadcast_in_dim3A_210 = vector.broadcast %reduce_sum3A_113 : f32 to vector<1x3xf32>
    %select_n3A_211 = arith.select %eq3A_208, %broadcast_in_dim3A_209, %broadcast_in_dim3A_210 : vector<1x3xi1>, vector<1x3xf32>
    %broadcast_in_dim3A_212 = vector.broadcast %reduce_sum3A_97 : f32 to vector<1x3xf32>
    %select_n3A_213 = arith.select %eq3A_205, %broadcast_in_dim3A_212, %select_n3A_211 : vector<1x3xi1>, vector<1x3xf32>
    %swap3A_214 = arith.constant 1 : index
    %swap3A_215 = arith.constant 0 : index
    %swap3A_216 = vector.load %arg3[%swap3A_214, %swap3A_215] : memref<3x3xf32, #tpu.memory_space<vmem>>, vector<1x3xf32>
    tpu.vector_store %arg3[%swap3A_214, %swap3A_215], %select_n3A_213 {strides = array<i32>} : memref<3x3xf32, #tpu.memory_space<vmem>>, vector<1x3xf32>,
    %eq3A_217 = arith.constant 0 : i32
    %eq3A_218 = vector.broadcast %eq3A_217 : i32 to vector<1x3xi32>
    %eq3A_219 = arith.cmpi eq, %iota3A_188, %eq3A_218 : vector<1x3xi32>
    %eq3A_220 = arith.constant 1 : i32
    %eq3A_221 = vector.broadcast %eq3A_220 : i32 to vector<1x3xi32>
    %eq3A_222 = arith.cmpi eq, %iota3A_188, %eq3A_221 : vector<1x3xi32>
    %broadcast_in_dim3A_223 = vector.broadcast %reduce_sum3A_161 : f32 to vector<1x3xf32>
    %broadcast_in_dim3A_224 = vector.broadcast %reduce_sum3A_169 : f32 to vector<1x3xf32>
    %select_n3A_225 = arith.select %eq3A_222, %broadcast_in_dim3A_223, %broadcast_in_dim3A_224 : vector<1x3xi1>, vector<1x3xf32>
    %broadcast_in_dim3A_226 = vector.broadcast %reduce_sum3A_153 : f32 to vector<1x3xf32>
    %select_n3A_227 = arith.select %eq3A_219, %broadcast_in_dim3A_226, %select_n3A_225 : vector<1x3xi1>, vector<1x3xf32>
    %swap3A_228 = arith.constant 2 : index
    %swap3A_229 = arith.constant 0 : index
    %swap3A_230 = vector.load %arg3[%swap3A_228, %swap3A_229] : memref<3x3xf32, #tpu.memory_space<vmem>>, vector<1x3xf32>
    tpu.vector_store %arg3[%swap3A_228, %swap3A_229], %select_n3A_227 {strides = array<i32>} : memref<3x3xf32, #tpu.memory_space<vmem>>, vector<1x3xf32>,
    return
  }
}

module attributes {stable_mosaic.version = 14 : i64} {
  func.func @_graph_body(%arg0: memref<3072xf32, #tpu.memory_space<vmem>>, %arg1: memref<3x256x16xf32, #tpu.memory_space<vmem>>, %arg2: memref<3x256x16xi32, #tpu.memory_space<vmem>>) attributes {dimension_semantics = [], scalar_prefetch = 0 : i64, scratch_operands = 0 : i64, tpu.core_type = #tpu.core_type<tc>} {
    %iota3A = tpu.iota {dimensions = array<i32: 1>} : vector<256x256xi32>
    %iota3A_0 = tpu.iota {dimensions = array<i32: 0>} : vector<256x256xi32>
    %eq3A = arith.cmpi eq, %iota3A_0, %iota3A : vector<256x256xi32>
    %convert_element_type3A = arith.extui %eq3A : vector<256x256xi1> to vector<256x256xi32>
    %convert_element_type3A_1 = arith.sitofp %convert_element_type3A : vector<256x256xi32> to vector<256x256xf32>
    %get3A = arith.constant 0 : index
    %get3A_2 = vector.load %arg0[%get3A] : memref<3072xf32, #tpu.memory_space<vmem>>, vector<3072xf32>
    %reshape3A = vector.shape_cast %get3A_2 : vector<3072xf32> to vector<1x3072xf32>
    %slice3A = vector.extract_strided_slice %reshape3A {offsets = [0, 0], sizes = [1, 256], strides = [1, 1]} : vector<1x3072xf32> to vector<1x256xf32>
    %slice3A_3 = vector.extract_strided_slice %reshape3A {offsets = [0, 768], sizes = [1, 256], strides = [1, 1]} : vector<1x3072xf32> to vector<1x256xf32>
    %slice3A_4 = vector.extract_strided_slice %reshape3A {offsets = [0, 1536], sizes = [1, 256], strides = [1, 1]} : vector<1x3072xf32> to vector<1x256xf32>
    %slice3A_5 = vector.extract_strided_slice %reshape3A {offsets = [0, 2304], sizes = [1, 256], strides = [1, 1]} : vector<1x3072xf32> to vector<1x256xf32>
    %mul3A = arith.mulf %slice3A, %slice3A : vector<1x256xf32>
    %mul3A_6 = arith.mulf %slice3A_3, %slice3A_3 : vector<1x256xf32>
    %add3A = arith.addf %mul3A, %mul3A_6 : vector<1x256xf32>
    %mul3A_7 = arith.mulf %slice3A_4, %slice3A_4 : vector<1x256xf32>
    %add3A_8 = arith.addf %add3A, %mul3A_7 : vector<1x256xf32>
    %sqrt3A = math.sqrt %add3A_8 : vector<1x256xf32>
    %add3A_9 = arith.constant 9.99999996E-13 : f32
    %add3A_10 = vector.broadcast %add3A_9 : f32 to vector<1x256xf32>
    %add3A_11 = arith.addf %sqrt3A, %add3A_10 : vector<1x256xf32>
    %div3A = arith.divf %slice3A, %add3A_11 : vector<1x256xf32>
    %div3A_12 = arith.divf %slice3A_3, %add3A_11 : vector<1x256xf32>
    %div3A_13 = arith.divf %slice3A_4, %add3A_11 : vector<1x256xf32>
    %concatenate3A = tpu.concatenate %div3A, %div3A_12, %div3A_13 in 0 : vector<1x256xf32>, vector<1x256xf32>, vector<1x256xf32> -> vector<3x256xf32>
    %dot_general3A = arith.constant dense<0.000000e+00> : vector<256x256xf32>
    %dot_general3A_14 = tpu.matmul %concatenate3A, %concatenate3A, %dot_general3A {dimension_numbers = #tpu.dot_dimension_numbers<[0], [0], [1], [1], [0, 1, 1, 1], [], []>, transpose_lhs_hint = false} : vector<3x256xf32>, vector<3x256xf32>, vector<256x256xf32> -> vector<256x256xf32>
    %abs3A = math.absf %dot_general3A_14 : vector<256x256xf32>
    %dot_general3A_15 = arith.constant dense<0.000000e+00> : vector<256x1xf32>
    %dot_general3A_16 = tpu.matmul %convert_element_type3A_1, %slice3A_5, %dot_general3A_15 {dimension_numbers = #tpu.dot_dimension_numbers<[1], [1], [0], [0], [0, 0, 1, 0], [], []>, transpose_lhs_hint = false} : vector<256x256xf32>, vector<1x256xf32>, vector<256x1xf32> -> vector<256x1xf32>
    %slice3A_17 = vector.extract_strided_slice %reshape3A {offsets = [0, 256], sizes = [1, 256], strides = [1, 1]} : vector<1x3072xf32> to vector<1x256xf32>
    %slice3A_18 = vector.extract_strided_slice %reshape3A {offsets = [0, 1024], sizes = [1, 256], strides = [1, 1]} : vector<1x3072xf32> to vector<1x256xf32>
    %slice3A_19 = vector.extract_strided_slice %reshape3A {offsets = [0, 1792], sizes = [1, 256], strides = [1, 1]} : vector<1x3072xf32> to vector<1x256xf32>
    %slice3A_20 = vector.extract_strided_slice %reshape3A {offsets = [0, 2560], sizes = [1, 256], strides = [1, 1]} : vector<1x3072xf32> to vector<1x256xf32>
    %mul3A_21 = arith.mulf %slice3A_17, %slice3A_17 : vector<1x256xf32>
    %mul3A_22 = arith.mulf %slice3A_18, %slice3A_18 : vector<1x256xf32>
    %add3A_23 = arith.addf %mul3A_21, %mul3A_22 : vector<1x256xf32>
    %mul3A_24 = arith.mulf %slice3A_19, %slice3A_19 : vector<1x256xf32>
    %add3A_25 = arith.addf %add3A_23, %mul3A_24 : vector<1x256xf32>
    %sqrt3A_26 = math.sqrt %add3A_25 : vector<1x256xf32>
    %add3A_27 = arith.constant 9.99999996E-13 : f32
    %add3A_28 = vector.broadcast %add3A_27 : f32 to vector<1x256xf32>
    %add3A_29 = arith.addf %sqrt3A_26, %add3A_28 : vector<1x256xf32>
    %div3A_30 = arith.divf %slice3A_17, %add3A_29 : vector<1x256xf32>
    %div3A_31 = arith.divf %slice3A_18, %add3A_29 : vector<1x256xf32>
    %div3A_32 = arith.divf %slice3A_19, %add3A_29 : vector<1x256xf32>
    %concatenate3A_33 = tpu.concatenate %div3A_30, %div3A_31, %div3A_32 in 0 : vector<1x256xf32>, vector<1x256xf32>, vector<1x256xf32> -> vector<3x256xf32>
    %dot_general3A_34 = arith.constant dense<0.000000e+00> : vector<256x256xf32>
    %dot_general3A_35 = tpu.matmul %concatenate3A_33, %concatenate3A_33, %dot_general3A_34 {dimension_numbers = #tpu.dot_dimension_numbers<[0], [0], [1], [1], [0, 1, 1, 1], [], []>, transpose_lhs_hint = false} : vector<3x256xf32>, vector<3x256xf32>, vector<256x256xf32> -> vector<256x256xf32>
    %abs3A_36 = math.absf %dot_general3A_35 : vector<256x256xf32>
    %dot_general3A_37 = arith.constant dense<0.000000e+00> : vector<256x1xf32>
    %dot_general3A_38 = tpu.matmul %convert_element_type3A_1, %slice3A_20, %dot_general3A_37 {dimension_numbers = #tpu.dot_dimension_numbers<[1], [1], [0], [0], [0, 0, 1, 0], [], []>, transpose_lhs_hint = false} : vector<256x256xf32>, vector<1x256xf32>, vector<256x1xf32> -> vector<256x1xf32>
    %slice3A_39 = vector.extract_strided_slice %reshape3A {offsets = [0, 512], sizes = [1, 256], strides = [1, 1]} : vector<1x3072xf32> to vector<1x256xf32>
    %slice3A_40 = vector.extract_strided_slice %reshape3A {offsets = [0, 1280], sizes = [1, 256], strides = [1, 1]} : vector<1x3072xf32> to vector<1x256xf32>
    %slice3A_41 = vector.extract_strided_slice %reshape3A {offsets = [0, 2048], sizes = [1, 256], strides = [1, 1]} : vector<1x3072xf32> to vector<1x256xf32>
    %slice3A_42 = vector.extract_strided_slice %reshape3A {offsets = [0, 2816], sizes = [1, 256], strides = [1, 1]} : vector<1x3072xf32> to vector<1x256xf32>
    %mul3A_43 = arith.mulf %slice3A_39, %slice3A_39 : vector<1x256xf32>
    %mul3A_44 = arith.mulf %slice3A_40, %slice3A_40 : vector<1x256xf32>
    %add3A_45 = arith.addf %mul3A_43, %mul3A_44 : vector<1x256xf32>
    %mul3A_46 = arith.mulf %slice3A_41, %slice3A_41 : vector<1x256xf32>
    %add3A_47 = arith.addf %add3A_45, %mul3A_46 : vector<1x256xf32>
    %sqrt3A_48 = math.sqrt %add3A_47 : vector<1x256xf32>
    %add3A_49 = arith.constant 9.99999996E-13 : f32
    %add3A_50 = vector.broadcast %add3A_49 : f32 to vector<1x256xf32>
    %add3A_51 = arith.addf %sqrt3A_48, %add3A_50 : vector<1x256xf32>
    %div3A_52 = arith.divf %slice3A_39, %add3A_51 : vector<1x256xf32>
    %div3A_53 = arith.divf %slice3A_40, %add3A_51 : vector<1x256xf32>
    %div3A_54 = arith.divf %slice3A_41, %add3A_51 : vector<1x256xf32>
    %concatenate3A_55 = tpu.concatenate %div3A_52, %div3A_53, %div3A_54 in 0 : vector<1x256xf32>, vector<1x256xf32>, vector<1x256xf32> -> vector<3x256xf32>
    %dot_general3A_56 = arith.constant dense<0.000000e+00> : vector<256x256xf32>
    %dot_general3A_57 = tpu.matmul %concatenate3A_55, %concatenate3A_55, %dot_general3A_56 {dimension_numbers = #tpu.dot_dimension_numbers<[0], [0], [1], [1], [0, 1, 1, 1], [], []>, transpose_lhs_hint = false} : vector<3x256xf32>, vector<3x256xf32>, vector<256x256xf32> -> vector<256x256xf32>
    %abs3A_58 = math.absf %dot_general3A_57 : vector<256x256xf32>
    %dot_general3A_59 = arith.constant dense<0.000000e+00> : vector<256x1xf32>
    %dot_general3A_60 = tpu.matmul %convert_element_type3A_1, %slice3A_42, %dot_general3A_59 {dimension_numbers = #tpu.dot_dimension_numbers<[1], [1], [0], [0], [0, 0, 1, 0], [], []>, transpose_lhs_hint = false} : vector<256x256xf32>, vector<1x256xf32>, vector<256x1xf32> -> vector<256x1xf32>
    %concatenate3A_61 = tpu.concatenate %abs3A, %abs3A_36, %abs3A_58 in 0 : vector<256x256xf32>, vector<256x256xf32>, vector<256x256xf32> -> vector<768x256xf32>
    %concatenate3A_62 = tpu.concatenate %dot_general3A_16, %dot_general3A_38, %dot_general3A_60 in 0 : vector<256x1xf32>, vector<256x1xf32>, vector<256x1xf32> -> vector<768x1xf32>
    %iota3A_63 = tpu.iota {dimensions = array<i32: 1>} : vector<768x256xi32>
    %convert_element_type3A_64 = arith.sitofp %iota3A_63 : vector<768x256xi32> to vector<768x256xf32>
    %reduce_max3A = arith.constant dense<0xFF800000> : vector<768xf32>
    %reduce_max3A_65 = vector.multi_reduction <maximumf>, %concatenate3A_61, %reduce_max3A [1] : vector<768x256xf32> to vector<768xf32>
    %broadcast_in_dim3A = vector.shape_cast %reduce_max3A_65 : vector<768xf32> to vector<768x1xf32>
    %eq3A_66 = vector.broadcast %broadcast_in_dim3A : vector<768x1xf32> to vector<768x256xf32>
    %eq3A_67 = arith.cmpf oeq, %concatenate3A_61, %eq3A_66 : vector<768x256xf32>
    %jit3A = arith.constant 2.560000e+02 : f32
    %broadcast_in_dim3A_68 = vector.broadcast %jit3A : f32 to vector<768x256xf32>
    %select_n3A = arith.select %eq3A_67, %convert_element_type3A_64, %broadcast_in_dim3A_68 : vector<768x256xi1>, vector<768x256xf32>
    %reduce_min3A = arith.constant dense<0x7F800000> : vector<768xf32>
    %reduce_min3A_69 = vector.multi_reduction <minimumf>, %select_n3A, %reduce_min3A [1] : vector<768x256xf32> to vector<768xf32>
    %broadcast_in_dim3A_70 = vector.shape_cast %reduce_min3A_69 : vector<768xf32> to vector<768x1xf32>
    %eq3A_71 = vector.broadcast %broadcast_in_dim3A_70 : vector<768x1xf32> to vector<768x256xf32>
    %eq3A_72 = arith.cmpf oeq, %convert_element_type3A_64, %eq3A_71 : vector<768x256xf32>
    %jit3A_73 = arith.constant 0xFF800000 : f32
    %broadcast_in_dim3A_74 = vector.broadcast %jit3A_73 : f32 to vector<768x256xf32>
    %select_n3A_75 = arith.select %eq3A_72, %broadcast_in_dim3A_74, %concatenate3A_61 : vector<768x256xi1>, vector<768x256xf32>
    %reduce_max3A_76 = arith.constant dense<0xFF800000> : vector<768xf32>
    %reduce_max3A_77 = vector.multi_reduction <maximumf>, %select_n3A_75, %reduce_max3A_76 [1] : vector<768x256xf32> to vector<768xf32>
    %broadcast_in_dim3A_78 = vector.shape_cast %reduce_max3A_77 : vector<768xf32> to vector<768x1xf32>
    %eq3A_79 = vector.broadcast %broadcast_in_dim3A_78 : vector<768x1xf32> to vector<768x256xf32>
    %eq3A_80 = arith.cmpf oeq, %select_n3A_75, %eq3A_79 : vector<768x256xf32>
    %jit3A_81 = arith.constant 2.560000e+02 : f32
    %broadcast_in_dim3A_82 = vector.broadcast %jit3A_81 : f32 to vector<768x256xf32>
    %select_n3A_83 = arith.select %eq3A_80, %convert_element_type3A_64, %broadcast_in_dim3A_82 : vector<768x256xi1>, vector<768x256xf32>
    %reduce_min3A_84 = arith.constant dense<0x7F800000> : vector<768xf32>
    %reduce_min3A_85 = vector.multi_reduction <minimumf>, %select_n3A_83, %reduce_min3A_84 [1] : vector<768x256xf32> to vector<768xf32>
    %broadcast_in_dim3A_86 = vector.shape_cast %reduce_min3A_85 : vector<768xf32> to vector<768x1xf32>
    %eq3A_87 = vector.broadcast %broadcast_in_dim3A_86 : vector<768x1xf32> to vector<768x256xf32>
    %eq3A_88 = arith.cmpf oeq, %convert_element_type3A_64, %eq3A_87 : vector<768x256xf32>
    %jit3A_89 = arith.constant 0xFF800000 : f32
    %broadcast_in_dim3A_90 = vector.broadcast %jit3A_89 : f32 to vector<768x256xf32>
    %select_n3A_91 = arith.select %eq3A_88, %broadcast_in_dim3A_90, %select_n3A_75 : vector<768x256xi1>, vector<768x256xf32>
    %reduce_max3A_92 = arith.constant dense<0xFF800000> : vector<768xf32>
    %reduce_max3A_93 = vector.multi_reduction <maximumf>, %select_n3A_91, %reduce_max3A_92 [1] : vector<768x256xf32> to vector<768xf32>
    %broadcast_in_dim3A_94 = vector.shape_cast %reduce_max3A_93 : vector<768xf32> to vector<768x1xf32>
    %eq3A_95 = vector.broadcast %broadcast_in_dim3A_94 : vector<768x1xf32> to vector<768x256xf32>
    %eq3A_96 = arith.cmpf oeq, %select_n3A_91, %eq3A_95 : vector<768x256xf32>
    %jit3A_97 = arith.constant 2.560000e+02 : f32
    %broadcast_in_dim3A_98 = vector.broadcast %jit3A_97 : f32 to vector<768x256xf32>
    %select_n3A_99 = arith.select %eq3A_96, %convert_element_type3A_64, %broadcast_in_dim3A_98 : vector<768x256xi1>, vector<768x256xf32>
    %reduce_min3A_100 = arith.constant dense<0x7F800000> : vector<768xf32>
    %reduce_min3A_101 = vector.multi_reduction <minimumf>, %select_n3A_99, %reduce_min3A_100 [1] : vector<768x256xf32> to vector<768xf32>
    %broadcast_in_dim3A_102 = vector.shape_cast %reduce_min3A_101 : vector<768xf32> to vector<768x1xf32>
    %eq3A_103 = vector.broadcast %broadcast_in_dim3A_102 : vector<768x1xf32> to vector<768x256xf32>
    %eq3A_104 = arith.cmpf oeq, %convert_element_type3A_64, %eq3A_103 : vector<768x256xf32>
    %jit3A_105 = arith.constant 0xFF800000 : f32
    %broadcast_in_dim3A_106 = vector.broadcast %jit3A_105 : f32 to vector<768x256xf32>
    %select_n3A_107 = arith.select %eq3A_104, %broadcast_in_dim3A_106, %select_n3A_91 : vector<768x256xi1>, vector<768x256xf32>
    %reduce_max3A_108 = arith.constant dense<0xFF800000> : vector<768xf32>
    %reduce_max3A_109 = vector.multi_reduction <maximumf>, %select_n3A_107, %reduce_max3A_108 [1] : vector<768x256xf32> to vector<768xf32>
    %broadcast_in_dim3A_110 = vector.shape_cast %reduce_max3A_109 : vector<768xf32> to vector<768x1xf32>
    %eq3A_111 = vector.broadcast %broadcast_in_dim3A_110 : vector<768x1xf32> to vector<768x256xf32>
    %eq3A_112 = arith.cmpf oeq, %select_n3A_107, %eq3A_111 : vector<768x256xf32>
    %jit3A_113 = arith.constant 2.560000e+02 : f32
    %broadcast_in_dim3A_114 = vector.broadcast %jit3A_113 : f32 to vector<768x256xf32>
    %select_n3A_115 = arith.select %eq3A_112, %convert_element_type3A_64, %broadcast_in_dim3A_114 : vector<768x256xi1>, vector<768x256xf32>
    %reduce_min3A_116 = arith.constant dense<0x7F800000> : vector<768xf32>
    %reduce_min3A_117 = vector.multi_reduction <minimumf>, %select_n3A_115, %reduce_min3A_116 [1] : vector<768x256xf32> to vector<768xf32>
    %broadcast_in_dim3A_118 = vector.shape_cast %reduce_min3A_117 : vector<768xf32> to vector<768x1xf32>
    %eq3A_119 = vector.broadcast %broadcast_in_dim3A_118 : vector<768x1xf32> to vector<768x256xf32>
    %eq3A_120 = arith.cmpf oeq, %convert_element_type3A_64, %eq3A_119 : vector<768x256xf32>
    %jit3A_121 = arith.constant 0xFF800000 : f32
    %broadcast_in_dim3A_122 = vector.broadcast %jit3A_121 : f32 to vector<768x256xf32>
    %select_n3A_123 = arith.select %eq3A_120, %broadcast_in_dim3A_122, %select_n3A_107 : vector<768x256xi1>, vector<768x256xf32>
    %reduce_max3A_124 = arith.constant dense<0xFF800000> : vector<768xf32>
    %reduce_max3A_125 = vector.multi_reduction <maximumf>, %select_n3A_123, %reduce_max3A_124 [1] : vector<768x256xf32> to vector<768xf32>
    %broadcast_in_dim3A_126 = vector.shape_cast %reduce_max3A_125 : vector<768xf32> to vector<768x1xf32>
    %eq3A_127 = vector.broadcast %broadcast_in_dim3A_126 : vector<768x1xf32> to vector<768x256xf32>
    %eq3A_128 = arith.cmpf oeq, %select_n3A_123, %eq3A_127 : vector<768x256xf32>
    %jit3A_129 = arith.constant 2.560000e+02 : f32
    %broadcast_in_dim3A_130 = vector.broadcast %jit3A_129 : f32 to vector<768x256xf32>
    %select_n3A_131 = arith.select %eq3A_128, %convert_element_type3A_64, %broadcast_in_dim3A_130 : vector<768x256xi1>, vector<768x256xf32>
    %reduce_min3A_132 = arith.constant dense<0x7F800000> : vector<768xf32>
    %reduce_min3A_133 = vector.multi_reduction <minimumf>, %select_n3A_131, %reduce_min3A_132 [1] : vector<768x256xf32> to vector<768xf32>
    %broadcast_in_dim3A_134 = vector.shape_cast %reduce_min3A_133 : vector<768xf32> to vector<768x1xf32>
    %eq3A_135 = vector.broadcast %broadcast_in_dim3A_134 : vector<768x1xf32> to vector<768x256xf32>
    %eq3A_136 = arith.cmpf oeq, %convert_element_type3A_64, %eq3A_135 : vector<768x256xf32>
    %jit3A_137 = arith.constant 0xFF800000 : f32
    %broadcast_in_dim3A_138 = vector.broadcast %jit3A_137 : f32 to vector<768x256xf32>
    %select_n3A_139 = arith.select %eq3A_136, %broadcast_in_dim3A_138, %select_n3A_123 : vector<768x256xi1>, vector<768x256xf32>
    %reduce_max3A_140 = arith.constant dense<0xFF800000> : vector<768xf32>
    %reduce_max3A_141 = vector.multi_reduction <maximumf>, %select_n3A_139, %reduce_max3A_140 [1] : vector<768x256xf32> to vector<768xf32>
    %broadcast_in_dim3A_142 = vector.shape_cast %reduce_max3A_141 : vector<768xf32> to vector<768x1xf32>
    %eq3A_143 = vector.broadcast %broadcast_in_dim3A_142 : vector<768x1xf32> to vector<768x256xf32>
    %eq3A_144 = arith.cmpf oeq, %select_n3A_139, %eq3A_143 : vector<768x256xf32>
    %jit3A_145 = arith.constant 2.560000e+02 : f32
    %broadcast_in_dim3A_146 = vector.broadcast %jit3A_145 : f32 to vector<768x256xf32>
    %select_n3A_147 = arith.select %eq3A_144, %convert_element_type3A_64, %broadcast_in_dim3A_146 : vector<768x256xi1>, vector<768x256xf32>
    %reduce_min3A_148 = arith.constant dense<0x7F800000> : vector<768xf32>
    %reduce_min3A_149 = vector.multi_reduction <minimumf>, %select_n3A_147, %reduce_min3A_148 [1] : vector<768x256xf32> to vector<768xf32>
    %broadcast_in_dim3A_150 = vector.shape_cast %reduce_min3A_149 : vector<768xf32> to vector<768x1xf32>
    %eq3A_151 = vector.broadcast %broadcast_in_dim3A_150 : vector<768x1xf32> to vector<768x256xf32>
    %eq3A_152 = arith.cmpf oeq, %convert_element_type3A_64, %eq3A_151 : vector<768x256xf32>
    %jit3A_153 = arith.constant 0xFF800000 : f32
    %broadcast_in_dim3A_154 = vector.broadcast %jit3A_153 : f32 to vector<768x256xf32>
    %select_n3A_155 = arith.select %eq3A_152, %broadcast_in_dim3A_154, %select_n3A_139 : vector<768x256xi1>, vector<768x256xf32>
    %reduce_max3A_156 = arith.constant dense<0xFF800000> : vector<768xf32>
    %reduce_max3A_157 = vector.multi_reduction <maximumf>, %select_n3A_155, %reduce_max3A_156 [1] : vector<768x256xf32> to vector<768xf32>
    %broadcast_in_dim3A_158 = vector.shape_cast %reduce_max3A_157 : vector<768xf32> to vector<768x1xf32>
    %eq3A_159 = vector.broadcast %broadcast_in_dim3A_158 : vector<768x1xf32> to vector<768x256xf32>
    %eq3A_160 = arith.cmpf oeq, %select_n3A_155, %eq3A_159 : vector<768x256xf32>
    %jit3A_161 = arith.constant 2.560000e+02 : f32
    %broadcast_in_dim3A_162 = vector.broadcast %jit3A_161 : f32 to vector<768x256xf32>
    %select_n3A_163 = arith.select %eq3A_160, %convert_element_type3A_64, %broadcast_in_dim3A_162 : vector<768x256xi1>, vector<768x256xf32>
    %reduce_min3A_164 = arith.constant dense<0x7F800000> : vector<768xf32>
    %reduce_min3A_165 = vector.multi_reduction <minimumf>, %select_n3A_163, %reduce_min3A_164 [1] : vector<768x256xf32> to vector<768xf32>
    %broadcast_in_dim3A_166 = vector.shape_cast %reduce_min3A_165 : vector<768xf32> to vector<768x1xf32>
    %eq3A_167 = vector.broadcast %broadcast_in_dim3A_166 : vector<768x1xf32> to vector<768x256xf32>
    %eq3A_168 = arith.cmpf oeq, %convert_element_type3A_64, %eq3A_167 : vector<768x256xf32>
    %jit3A_169 = arith.constant 0xFF800000 : f32
    %broadcast_in_dim3A_170 = vector.broadcast %jit3A_169 : f32 to vector<768x256xf32>
    %select_n3A_171 = arith.select %eq3A_168, %broadcast_in_dim3A_170, %select_n3A_155 : vector<768x256xi1>, vector<768x256xf32>
    %reduce_max3A_172 = arith.constant dense<0xFF800000> : vector<768xf32>
    %reduce_max3A_173 = vector.multi_reduction <maximumf>, %select_n3A_171, %reduce_max3A_172 [1] : vector<768x256xf32> to vector<768xf32>
    %broadcast_in_dim3A_174 = vector.shape_cast %reduce_max3A_173 : vector<768xf32> to vector<768x1xf32>
    %eq3A_175 = vector.broadcast %broadcast_in_dim3A_174 : vector<768x1xf32> to vector<768x256xf32>
    %eq3A_176 = arith.cmpf oeq, %select_n3A_171, %eq3A_175 : vector<768x256xf32>
    %jit3A_177 = arith.constant 2.560000e+02 : f32
    %broadcast_in_dim3A_178 = vector.broadcast %jit3A_177 : f32 to vector<768x256xf32>
    %select_n3A_179 = arith.select %eq3A_176, %convert_element_type3A_64, %broadcast_in_dim3A_178 : vector<768x256xi1>, vector<768x256xf32>
    %reduce_min3A_180 = arith.constant dense<0x7F800000> : vector<768xf32>
    %reduce_min3A_181 = vector.multi_reduction <minimumf>, %select_n3A_179, %reduce_min3A_180 [1] : vector<768x256xf32> to vector<768xf32>
    %broadcast_in_dim3A_182 = vector.shape_cast %reduce_min3A_181 : vector<768xf32> to vector<768x1xf32>
    %eq3A_183 = vector.broadcast %broadcast_in_dim3A_182 : vector<768x1xf32> to vector<768x256xf32>
    %eq3A_184 = arith.cmpf oeq, %convert_element_type3A_64, %eq3A_183 : vector<768x256xf32>
    %jit3A_185 = arith.constant 0xFF800000 : f32
    %broadcast_in_dim3A_186 = vector.broadcast %jit3A_185 : f32 to vector<768x256xf32>
    %select_n3A_187 = arith.select %eq3A_184, %broadcast_in_dim3A_186, %select_n3A_171 : vector<768x256xi1>, vector<768x256xf32>
    %reduce_max3A_188 = arith.constant dense<0xFF800000> : vector<768xf32>
    %reduce_max3A_189 = vector.multi_reduction <maximumf>, %select_n3A_187, %reduce_max3A_188 [1] : vector<768x256xf32> to vector<768xf32>
    %broadcast_in_dim3A_190 = vector.shape_cast %reduce_max3A_189 : vector<768xf32> to vector<768x1xf32>
    %eq3A_191 = vector.broadcast %broadcast_in_dim3A_190 : vector<768x1xf32> to vector<768x256xf32>
    %eq3A_192 = arith.cmpf oeq, %select_n3A_187, %eq3A_191 : vector<768x256xf32>
    %jit3A_193 = arith.constant 2.560000e+02 : f32
    %broadcast_in_dim3A_194 = vector.broadcast %jit3A_193 : f32 to vector<768x256xf32>
    %select_n3A_195 = arith.select %eq3A_192, %convert_element_type3A_64, %broadcast_in_dim3A_194 : vector<768x256xi1>, vector<768x256xf32>
    %reduce_min3A_196 = arith.constant dense<0x7F800000> : vector<768xf32>
    %reduce_min3A_197 = vector.multi_reduction <minimumf>, %select_n3A_195, %reduce_min3A_196 [1] : vector<768x256xf32> to vector<768xf32>
    %broadcast_in_dim3A_198 = vector.shape_cast %reduce_min3A_197 : vector<768xf32> to vector<768x1xf32>
    %eq3A_199 = vector.broadcast %broadcast_in_dim3A_198 : vector<768x1xf32> to vector<768x256xf32>
    %eq3A_200 = arith.cmpf oeq, %convert_element_type3A_64, %eq3A_199 : vector<768x256xf32>
    %jit3A_201 = arith.constant 0xFF800000 : f32
    %broadcast_in_dim3A_202 = vector.broadcast %jit3A_201 : f32 to vector<768x256xf32>
    %select_n3A_203 = arith.select %eq3A_200, %broadcast_in_dim3A_202, %select_n3A_187 : vector<768x256xi1>, vector<768x256xf32>
    %reduce_max3A_204 = arith.constant dense<0xFF800000> : vector<768xf32>
    %reduce_max3A_205 = vector.multi_reduction <maximumf>, %select_n3A_203, %reduce_max3A_204 [1] : vector<768x256xf32> to vector<768xf32>
    %broadcast_in_dim3A_206 = vector.shape_cast %reduce_max3A_205 : vector<768xf32> to vector<768x1xf32>
    %eq3A_207 = vector.broadcast %broadcast_in_dim3A_206 : vector<768x1xf32> to vector<768x256xf32>
    %eq3A_208 = arith.cmpf oeq, %select_n3A_203, %eq3A_207 : vector<768x256xf32>
    %jit3A_209 = arith.constant 2.560000e+02 : f32
    %broadcast_in_dim3A_210 = vector.broadcast %jit3A_209 : f32 to vector<768x256xf32>
    %select_n3A_211 = arith.select %eq3A_208, %convert_element_type3A_64, %broadcast_in_dim3A_210 : vector<768x256xi1>, vector<768x256xf32>
    %reduce_min3A_212 = arith.constant dense<0x7F800000> : vector<768xf32>
    %reduce_min3A_213 = vector.multi_reduction <minimumf>, %select_n3A_211, %reduce_min3A_212 [1] : vector<768x256xf32> to vector<768xf32>
    %broadcast_in_dim3A_214 = vector.shape_cast %reduce_min3A_213 : vector<768xf32> to vector<768x1xf32>
    %eq3A_215 = vector.broadcast %broadcast_in_dim3A_214 : vector<768x1xf32> to vector<768x256xf32>
    %eq3A_216 = arith.cmpf oeq, %convert_element_type3A_64, %eq3A_215 : vector<768x256xf32>
    %jit3A_217 = arith.constant 0xFF800000 : f32
    %broadcast_in_dim3A_218 = vector.broadcast %jit3A_217 : f32 to vector<768x256xf32>
    %select_n3A_219 = arith.select %eq3A_216, %broadcast_in_dim3A_218, %select_n3A_203 : vector<768x256xi1>, vector<768x256xf32>
    %reduce_max3A_220 = arith.constant dense<0xFF800000> : vector<768xf32>
    %reduce_max3A_221 = vector.multi_reduction <maximumf>, %select_n3A_219, %reduce_max3A_220 [1] : vector<768x256xf32> to vector<768xf32>
    %broadcast_in_dim3A_222 = vector.shape_cast %reduce_max3A_221 : vector<768xf32> to vector<768x1xf32>
    %eq3A_223 = vector.broadcast %broadcast_in_dim3A_222 : vector<768x1xf32> to vector<768x256xf32>
    %eq3A_224 = arith.cmpf oeq, %select_n3A_219, %eq3A_223 : vector<768x256xf32>
    %jit3A_225 = arith.constant 2.560000e+02 : f32
    %broadcast_in_dim3A_226 = vector.broadcast %jit3A_225 : f32 to vector<768x256xf32>
    %select_n3A_227 = arith.select %eq3A_224, %convert_element_type3A_64, %broadcast_in_dim3A_226 : vector<768x256xi1>, vector<768x256xf32>
    %reduce_min3A_228 = arith.constant dense<0x7F800000> : vector<768xf32>
    %reduce_min3A_229 = vector.multi_reduction <minimumf>, %select_n3A_227, %reduce_min3A_228 [1] : vector<768x256xf32> to vector<768xf32>
    %broadcast_in_dim3A_230 = vector.shape_cast %reduce_min3A_229 : vector<768xf32> to vector<768x1xf32>
    %eq3A_231 = vector.broadcast %broadcast_in_dim3A_230 : vector<768x1xf32> to vector<768x256xf32>
    %eq3A_232 = arith.cmpf oeq, %convert_element_type3A_64, %eq3A_231 : vector<768x256xf32>
    %jit3A_233 = arith.constant 0xFF800000 : f32
    %broadcast_in_dim3A_234 = vector.broadcast %jit3A_233 : f32 to vector<768x256xf32>
    %select_n3A_235 = arith.select %eq3A_232, %broadcast_in_dim3A_234, %select_n3A_219 : vector<768x256xi1>, vector<768x256xf32>
    %reduce_max3A_236 = arith.constant dense<0xFF800000> : vector<768xf32>
    %reduce_max3A_237 = vector.multi_reduction <maximumf>, %select_n3A_235, %reduce_max3A_236 [1] : vector<768x256xf32> to vector<768xf32>
    %broadcast_in_dim3A_238 = vector.shape_cast %reduce_max3A_237 : vector<768xf32> to vector<768x1xf32>
    %eq3A_239 = vector.broadcast %broadcast_in_dim3A_238 : vector<768x1xf32> to vector<768x256xf32>
    %eq3A_240 = arith.cmpf oeq, %select_n3A_235, %eq3A_239 : vector<768x256xf32>
    %jit3A_241 = arith.constant 2.560000e+02 : f32
    %broadcast_in_dim3A_242 = vector.broadcast %jit3A_241 : f32 to vector<768x256xf32>
    %select_n3A_243 = arith.select %eq3A_240, %convert_element_type3A_64, %broadcast_in_dim3A_242 : vector<768x256xi1>, vector<768x256xf32>
    %reduce_min3A_244 = arith.constant dense<0x7F800000> : vector<768xf32>
    %reduce_min3A_245 = vector.multi_reduction <minimumf>, %select_n3A_243, %reduce_min3A_244 [1] : vector<768x256xf32> to vector<768xf32>
    %broadcast_in_dim3A_246 = vector.shape_cast %reduce_min3A_245 : vector<768xf32> to vector<768x1xf32>
    %eq3A_247 = vector.broadcast %broadcast_in_dim3A_246 : vector<768x1xf32> to vector<768x256xf32>
    %eq3A_248 = arith.cmpf oeq, %convert_element_type3A_64, %eq3A_247 : vector<768x256xf32>
    %jit3A_249 = arith.constant 0xFF800000 : f32
    %broadcast_in_dim3A_250 = vector.broadcast %jit3A_249 : f32 to vector<768x256xf32>
    %select_n3A_251 = arith.select %eq3A_248, %broadcast_in_dim3A_250, %select_n3A_235 : vector<768x256xi1>, vector<768x256xf32>
    %reduce_max3A_252 = arith.constant dense<0xFF800000> : vector<768xf32>
    %reduce_max3A_253 = vector.multi_reduction <maximumf>, %select_n3A_251, %reduce_max3A_252 [1] : vector<768x256xf32> to vector<768xf32>
    %broadcast_in_dim3A_254 = vector.shape_cast %reduce_max3A_253 : vector<768xf32> to vector<768x1xf32>
    %eq3A_255 = vector.broadcast %broadcast_in_dim3A_254 : vector<768x1xf32> to vector<768x256xf32>
    %eq3A_256 = arith.cmpf oeq, %select_n3A_251, %eq3A_255 : vector<768x256xf32>
    %jit3A_257 = arith.constant 2.560000e+02 : f32
    %broadcast_in_dim3A_258 = vector.broadcast %jit3A_257 : f32 to vector<768x256xf32>
    %select_n3A_259 = arith.select %eq3A_256, %convert_element_type3A_64, %broadcast_in_dim3A_258 : vector<768x256xi1>, vector<768x256xf32>
    %reduce_min3A_260 = arith.constant dense<0x7F800000> : vector<768xf32>
    %reduce_min3A_261 = vector.multi_reduction <minimumf>, %select_n3A_259, %reduce_min3A_260 [1] : vector<768x256xf32> to vector<768xf32>
    %broadcast_in_dim3A_262 = vector.shape_cast %reduce_min3A_261 : vector<768xf32> to vector<768x1xf32>
    %eq3A_263 = vector.broadcast %broadcast_in_dim3A_262 : vector<768x1xf32> to vector<768x256xf32>
    %eq3A_264 = arith.cmpf oeq, %convert_element_type3A_64, %eq3A_263 : vector<768x256xf32>
    %jit3A_265 = arith.constant 0xFF800000 : f32
    %broadcast_in_dim3A_266 = vector.broadcast %jit3A_265 : f32 to vector<768x256xf32>
    %select_n3A_267 = arith.select %eq3A_264, %broadcast_in_dim3A_266, %select_n3A_251 : vector<768x256xi1>, vector<768x256xf32>
    %reduce_max3A_268 = arith.constant dense<0xFF800000> : vector<768xf32>
    %reduce_max3A_269 = vector.multi_reduction <maximumf>, %select_n3A_267, %reduce_max3A_268 [1] : vector<768x256xf32> to vector<768xf32>
    %broadcast_in_dim3A_270 = vector.shape_cast %reduce_max3A_269 : vector<768xf32> to vector<768x1xf32>
    %eq3A_271 = vector.broadcast %broadcast_in_dim3A_270 : vector<768x1xf32> to vector<768x256xf32>
    %eq3A_272 = arith.cmpf oeq, %select_n3A_267, %eq3A_271 : vector<768x256xf32>
    %jit3A_273 = arith.constant 2.560000e+02 : f32
    %broadcast_in_dim3A_274 = vector.broadcast %jit3A_273 : f32 to vector<768x256xf32>
    %select_n3A_275 = arith.select %eq3A_272, %convert_element_type3A_64, %broadcast_in_dim3A_274 : vector<768x256xi1>, vector<768x256xf32>
    %reduce_min3A_276 = arith.constant dense<0x7F800000> : vector<768xf32>
    %reduce_min3A_277 = vector.multi_reduction <minimumf>, %select_n3A_275, %reduce_min3A_276 [1] : vector<768x256xf32> to vector<768xf32>
    %broadcast_in_dim3A_278 = vector.shape_cast %reduce_min3A_277 : vector<768xf32> to vector<768x1xf32>
    %eq3A_279 = vector.broadcast %broadcast_in_dim3A_278 : vector<768x1xf32> to vector<768x256xf32>
    %eq3A_280 = arith.cmpf oeq, %convert_element_type3A_64, %eq3A_279 : vector<768x256xf32>
    %jit3A_281 = arith.constant 0xFF800000 : f32
    %broadcast_in_dim3A_282 = vector.broadcast %jit3A_281 : f32 to vector<768x256xf32>
    %select_n3A_283 = arith.select %eq3A_280, %broadcast_in_dim3A_282, %select_n3A_267 : vector<768x256xi1>, vector<768x256xf32>
    %reduce_max3A_284 = arith.constant dense<0xFF800000> : vector<768xf32>
    %reduce_max3A_285 = vector.multi_reduction <maximumf>, %select_n3A_283, %reduce_max3A_284 [1] : vector<768x256xf32> to vector<768xf32>
    %broadcast_in_dim3A_286 = vector.shape_cast %reduce_max3A_285 : vector<768xf32> to vector<768x1xf32>
    %eq3A_287 = vector.broadcast %broadcast_in_dim3A_286 : vector<768x1xf32> to vector<768x256xf32>
    %eq3A_288 = arith.cmpf oeq, %select_n3A_283, %eq3A_287 : vector<768x256xf32>
    %jit3A_289 = arith.constant 2.560000e+02 : f32
    %broadcast_in_dim3A_290 = vector.broadcast %jit3A_289 : f32 to vector<768x256xf32>
    %select_n3A_291 = arith.select %eq3A_288, %convert_element_type3A_64, %broadcast_in_dim3A_290 : vector<768x256xi1>, vector<768x256xf32>
    %reduce_min3A_292 = arith.constant dense<0x7F800000> : vector<768xf32>
    %reduce_min3A_293 = vector.multi_reduction <minimumf>, %select_n3A_291, %reduce_min3A_292 [1] : vector<768x256xf32> to vector<768xf32>
    %broadcast_in_dim3A_294 = vector.shape_cast %reduce_min3A_293 : vector<768xf32> to vector<768x1xf32>
    %eq3A_295 = vector.broadcast %broadcast_in_dim3A_294 : vector<768x1xf32> to vector<768x256xf32>
    %eq3A_296 = arith.cmpf oeq, %convert_element_type3A_64, %eq3A_295 : vector<768x256xf32>
    %jit3A_297 = arith.constant 0xFF800000 : f32
    %broadcast_in_dim3A_298 = vector.broadcast %jit3A_297 : f32 to vector<768x256xf32>
    %select_n3A_299 = arith.select %eq3A_296, %broadcast_in_dim3A_298, %select_n3A_283 : vector<768x256xi1>, vector<768x256xf32>
    %reduce_max3A_300 = arith.constant dense<0xFF800000> : vector<768xf32>
    %reduce_max3A_301 = vector.multi_reduction <maximumf>, %select_n3A_299, %reduce_max3A_300 [1] : vector<768x256xf32> to vector<768xf32>
    %broadcast_in_dim3A_302 = vector.shape_cast %reduce_max3A_301 : vector<768xf32> to vector<768x1xf32>
    %eq3A_303 = vector.broadcast %broadcast_in_dim3A_302 : vector<768x1xf32> to vector<768x256xf32>
    %eq3A_304 = arith.cmpf oeq, %select_n3A_299, %eq3A_303 : vector<768x256xf32>
    %jit3A_305 = arith.constant 2.560000e+02 : f32
    %broadcast_in_dim3A_306 = vector.broadcast %jit3A_305 : f32 to vector<768x256xf32>
    %select_n3A_307 = arith.select %eq3A_304, %convert_element_type3A_64, %broadcast_in_dim3A_306 : vector<768x256xi1>, vector<768x256xf32>
    %reduce_min3A_308 = arith.constant dense<0x7F800000> : vector<768xf32>
    %reduce_min3A_309 = vector.multi_reduction <minimumf>, %select_n3A_307, %reduce_min3A_308 [1] : vector<768x256xf32> to vector<768xf32>
    %broadcast_in_dim3A_310 = vector.shape_cast %reduce_min3A_309 : vector<768xf32> to vector<768x1xf32>
    %concatenate3A_311 = tpu.concatenate %broadcast_in_dim3A, %broadcast_in_dim3A_78, %broadcast_in_dim3A_94, %broadcast_in_dim3A_110, %broadcast_in_dim3A_126, %broadcast_in_dim3A_142, %broadcast_in_dim3A_158, %broadcast_in_dim3A_174, %broadcast_in_dim3A_190, %broadcast_in_dim3A_206, %broadcast_in_dim3A_222, %broadcast_in_dim3A_238, %broadcast_in_dim3A_254, %broadcast_in_dim3A_270, %broadcast_in_dim3A_286, %broadcast_in_dim3A_302 in 1 : vector<768x1xf32>, vector<768x1xf32>, vector<768x1xf32>, vector<768x1xf32>, vector<768x1xf32>, vector<768x1xf32>, vector<768x1xf32>, vector<768x1xf32>, vector<768x1xf32>, vector<768x1xf32>, vector<768x1xf32>, vector<768x1xf32>, vector<768x1xf32>, vector<768x1xf32>, vector<768x1xf32>, vector<768x1xf32> -> vector<768x16xf32>
    %concatenate3A_312 = tpu.concatenate %broadcast_in_dim3A_70, %broadcast_in_dim3A_86, %broadcast_in_dim3A_102, %broadcast_in_dim3A_118, %broadcast_in_dim3A_134, %broadcast_in_dim3A_150, %broadcast_in_dim3A_166, %broadcast_in_dim3A_182, %broadcast_in_dim3A_198, %broadcast_in_dim3A_214, %broadcast_in_dim3A_230, %broadcast_in_dim3A_246, %broadcast_in_dim3A_262, %broadcast_in_dim3A_278, %broadcast_in_dim3A_294, %broadcast_in_dim3A_310 in 1 : vector<768x1xf32>, vector<768x1xf32>, vector<768x1xf32>, vector<768x1xf32>, vector<768x1xf32>, vector<768x1xf32>, vector<768x1xf32>, vector<768x1xf32>, vector<768x1xf32>, vector<768x1xf32>, vector<768x1xf32>, vector<768x1xf32>, vector<768x1xf32>, vector<768x1xf32>, vector<768x1xf32>, vector<768x1xf32> -> vector<768x16xf32>
    %convert_element_type3A_313 = arith.fptosi %concatenate3A_312 : vector<768x16xf32> to vector<768x16xi32>
    %mul3A_314 = arith.constant 1.000000e-01 : f32
    %mul3A_315 = vector.broadcast %mul3A_314 : f32 to vector<768x1xf32>
    %mul3A_316 = arith.mulf %mul3A_315, %concatenate3A_62 : vector<768x1xf32>
    %add3A_317 = vector.broadcast %mul3A_316 : vector<768x1xf32> to vector<768x16xf32>
    %add3A_318 = arith.addf %concatenate3A_311, %add3A_317 : vector<768x16xf32>
    %slice3A_319 = vector.extract_strided_slice %add3A_318 {offsets = [0, 0], sizes = [256, 16], strides = [1, 1]} : vector<768x16xf32> to vector<256x16xf32>
    %swap3A = arith.constant 0 : index
    %swap3A_320 = arith.constant 0 : index
    %swap3A_321 = arith.constant 0 : index
    %swap3A_322 = vector.load %arg1[%swap3A, %swap3A_320, %swap3A_321] : memref<3x256x16xf32, #tpu.memory_space<vmem>>, vector<1x256x16xf32>
    %swap3A_323 = vector.shape_cast %swap3A_322 : vector<1x256x16xf32> to vector<256x16xf32>
    %swap3A_324 = vector.shape_cast %slice3A_319 : vector<256x16xf32> to vector<1x256x16xf32>
    tpu.vector_store %arg1[%swap3A, %swap3A_320, %swap3A_321], %swap3A_324 {strides = array<i32>} : memref<3x256x16xf32, #tpu.memory_space<vmem>>, vector<1x256x16xf32>,
    %slice3A_325 = vector.extract_strided_slice %convert_element_type3A_313 {offsets = [0, 0], sizes = [256, 16], strides = [1, 1]} : vector<768x16xi32> to vector<256x16xi32>
    %swap3A_326 = arith.constant 0 : index
    %swap3A_327 = arith.constant 0 : index
    %swap3A_328 = arith.constant 0 : index
    %swap3A_329 = vector.load %arg2[%swap3A_326, %swap3A_327, %swap3A_328] : memref<3x256x16xi32, #tpu.memory_space<vmem>>, vector<1x256x16xi32>
    %swap3A_330 = vector.shape_cast %swap3A_329 : vector<1x256x16xi32> to vector<256x16xi32>
    %swap3A_331 = vector.shape_cast %slice3A_325 : vector<256x16xi32> to vector<1x256x16xi32>
    tpu.vector_store %arg2[%swap3A_326, %swap3A_327, %swap3A_328], %swap3A_331 {strides = array<i32>} : memref<3x256x16xi32, #tpu.memory_space<vmem>>, vector<1x256x16xi32>,
    %slice3A_332 = vector.extract_strided_slice %add3A_318 {offsets = [256, 0], sizes = [256, 16], strides = [1, 1]} : vector<768x16xf32> to vector<256x16xf32>
    %swap3A_333 = arith.constant 1 : index
    %swap3A_334 = arith.constant 0 : index
    %swap3A_335 = arith.constant 0 : index
    %swap3A_336 = vector.load %arg1[%swap3A_333, %swap3A_334, %swap3A_335] : memref<3x256x16xf32, #tpu.memory_space<vmem>>, vector<1x256x16xf32>
    %swap3A_337 = vector.shape_cast %swap3A_336 : vector<1x256x16xf32> to vector<256x16xf32>
    %swap3A_338 = vector.shape_cast %slice3A_332 : vector<256x16xf32> to vector<1x256x16xf32>
    tpu.vector_store %arg1[%swap3A_333, %swap3A_334, %swap3A_335], %swap3A_338 {strides = array<i32>} : memref<3x256x16xf32, #tpu.memory_space<vmem>>, vector<1x256x16xf32>,
    %slice3A_339 = vector.extract_strided_slice %convert_element_type3A_313 {offsets = [256, 0], sizes = [256, 16], strides = [1, 1]} : vector<768x16xi32> to vector<256x16xi32>
    %swap3A_340 = arith.constant 1 : index
    %swap3A_341 = arith.constant 0 : index
    %swap3A_342 = arith.constant 0 : index
    %swap3A_343 = vector.load %arg2[%swap3A_340, %swap3A_341, %swap3A_342] : memref<3x256x16xi32, #tpu.memory_space<vmem>>, vector<1x256x16xi32>
    %swap3A_344 = vector.shape_cast %swap3A_343 : vector<1x256x16xi32> to vector<256x16xi32>
    %swap3A_345 = vector.shape_cast %slice3A_339 : vector<256x16xi32> to vector<1x256x16xi32>
    tpu.vector_store %arg2[%swap3A_340, %swap3A_341, %swap3A_342], %swap3A_345 {strides = array<i32>} : memref<3x256x16xi32, #tpu.memory_space<vmem>>, vector<1x256x16xi32>,
    %slice3A_346 = vector.extract_strided_slice %add3A_318 {offsets = [512, 0], sizes = [256, 16], strides = [1, 1]} : vector<768x16xf32> to vector<256x16xf32>
    %swap3A_347 = arith.constant 2 : index
    %swap3A_348 = arith.constant 0 : index
    %swap3A_349 = arith.constant 0 : index
    %swap3A_350 = vector.load %arg1[%swap3A_347, %swap3A_348, %swap3A_349] : memref<3x256x16xf32, #tpu.memory_space<vmem>>, vector<1x256x16xf32>
    %swap3A_351 = vector.shape_cast %swap3A_350 : vector<1x256x16xf32> to vector<256x16xf32>
    %swap3A_352 = vector.shape_cast %slice3A_346 : vector<256x16xf32> to vector<1x256x16xf32>
    tpu.vector_store %arg1[%swap3A_347, %swap3A_348, %swap3A_349], %swap3A_352 {strides = array<i32>} : memref<3x256x16xf32, #tpu.memory_space<vmem>>, vector<1x256x16xf32>,
    %slice3A_353 = vector.extract_strided_slice %convert_element_type3A_313 {offsets = [512, 0], sizes = [256, 16], strides = [1, 1]} : vector<768x16xi32> to vector<256x16xi32>
    %swap3A_354 = arith.constant 2 : index
    %swap3A_355 = arith.constant 0 : index
    %swap3A_356 = arith.constant 0 : index
    %swap3A_357 = vector.load %arg2[%swap3A_354, %swap3A_355, %swap3A_356] : memref<3x256x16xi32, #tpu.memory_space<vmem>>, vector<1x256x16xi32>
    %swap3A_358 = vector.shape_cast %swap3A_357 : vector<1x256x16xi32> to vector<256x16xi32>
    %swap3A_359 = vector.shape_cast %slice3A_353 : vector<256x16xi32> to vector<1x256x16xi32>
    tpu.vector_store %arg2[%swap3A_354, %swap3A_355, %swap3A_356], %swap3A_359 {strides = array<i32>} : memref<3x256x16xi32, #tpu.memory_space<vmem>>, vector<1x256x16xi32>,
    return
  }
}

</mosaic_0001>

<sc_bundles>
// kernel: kernel.5.cloned.1.call-start
scs
__scs_entry_jumppad:
0x0: {  	(pc) =	sbr.rel $0x88, $3  }
0x1: {  	(tag) =	ssettag $0x0;
	lr =	simm.s32 $0x1  }
0x2: {  	[smem:$0x3F9E] =	sst lr;
	_ =	strace $0xD0000000  }
0x3: {  	_ = 	snop  }
0x4: {  	_ = 	snop  }
0x5: {  	_ = 	snop  }
0x6: {  	_ = 	snop  }
0x7: {  	_ = 	snop  }
__scs_overlays_trampoline_lowered:
0x8: {  	[smem:$0x3FAD] =	sst s0  }
0x9: {  	[smem:$0x3FAE] =	sst s1  }
0xa: {  	[smem:$0x3FAF] =	sst s2  }
0xb: {  	[smem:$0x3FB0] =	sst s3  }
0xc: {  	[smem:$0x3FB1] =	sst s4  }
0xd: {  	[smem:$0x3FB2] =	sst s5  }
0xe: {  	[smem:$0x3FB3] =	sst s6  }
0xf: {  	[smem:$0x3FB4] =	sst s7  }
0x10: {  	[smem:$0x3FB5] =	sst s8  }
0x11: {  	[smem:$0x3FB6] =	sst s9;
	s0 =	simm.s32 @!p0 $0x0  }
0x12: {  	s1 =	sld [smem:$0x3F9C];
	s0 =	simm.s32 @p0 $0x1  }
0x13: {  	[smem:$0x3FB7] =	sst s0;
	s0 =	simm.s32 @!p1 $0x0  }
0x14: {  	s2 =	sld [smem:$0x3F9B];
	s0 =	simm.s32 @p1 $0x1  }
0x15: {  	[smem:$0x3FB8] =	sst s0;
	s0 =	simm.s32 @!p2 $0x0  }
0x16: {  	s3 =	sld [smem:$0x3FDB];
	s0 =	simm.s32 @p2 $0x1  }
0x17: {  	s4 =	simm.s32 $0x1BF5;
	[smem:$0x3FBA] =	sst s0  }
0x18: {  	s0 =	sld [smem:$0x3F9D];
	_ =	swait.ge [sflag:s4], $0x0  }
0x19: {  	s7 =	sld [smem:$0x3F9E]  }
0x1a: {  	s8 =	sadd.s32 $0xFFFFE003, lr  }
0x1b: {  	s9 =	sadd.s32 $0xFFFFFEF7, lr;
	s5 =	simm.s32 $0xFFFFFFFF;
	p2 =	slt.u32 s8, $0xFFFFF086  }
0x1c: {  	p1 =	slt.u32 s9, $0xF7A;
	s5 =	simm.s32 @!p2 $0x0  }
0x1d: {  	s5 =	simm.s32 @p1 $0x1;
	p0 =	seq.s32 s7, s2  }
0x1e: {  	s7 =	smul.u32 @!p0 $0xF7A, s2;
	p2 =	seq.s32 @!p0 s5, $0x0  }
0x1f: {  	s9 =	smul.u32 $0xF7A, s1;
	s8 =	simm.s32 @!p0 $0x1BF5;
	p2 =	por !p2, p0  }
0x20: {  	[sflag:s8] =	ssyncset.s32 @!p0 $0xFFFFF086;
	s6 =	sadd.s32 @!p0 s3, s7;
	s7 =	simm.s32 @!p0 $0x108  }
0x21: {  	s3 =	sadd.s32 s3, s9;
	s6 =	sadd.s32 @!p0 $0x88, s6;
	s7 =	simm.s32 @p2 $0x1082  }
0x22: {  	[simem:s7], [sflag:s8] =	dma.local @!p0 [hbm:s6], $0xF7A  }
0x23: {  	s9 =	sor.u32 $0xD0000000, s2;
	s6 =	simm.s32 $0x108;
	_ =	swait.ge @!p0 [sflag:s8], $0x0  }
0x24: {  	s3 =	sadd.s32 $0x88, s3;
	s6 =	simm.s32 @!p1 $0x1082;
	[sflag:s4] =	ssyncset.s32 $0xFFFFF086  }
0x25: {  	[simem:s6], [sflag:s4] =	dma.local [hbm:s3], $0xF7A  }
0x26: {  	[smem:$0x3F9E] =	sst s1;
	(tag) =	ssettag s2;
	_ =	strace s9  }
0x27: {  	s1 =	sld [smem:$0x3FAE]  }
0x28: {  	s2 =	sld [smem:$0x3FAF]  }
0x29: {  	s4 =	sld [smem:$0x3FB1]  }
0x2a: {  	p0 =	seq.s32 s5, $0x0;
	s5 =	sld [smem:$0x3FB2]  }
0x2b: {  	s6 =	sld [smem:$0x3FB3]  }
0x2c: {  	s7 =	sld [smem:$0x3FB4]  }
0x2d: {  	s3 =	simm.s32 $0x108;
	s8 =	sld [smem:$0x3FB5]  }
0x2e: {  	s3 =	simm.s32 @!p0 $0x1082;
	s9 =	sld [smem:$0x3FB6]  }
0x2f: {  	lr =	sadd.s32 s0, s3;
	s0 =	sld [smem:$0x3FAD]  }
0x30: {  	s3 =	sld [smem:$0x3FB0]  }
0x31: {  	[smem:$0x3FB9] =	sst s10  }
0x32: {  	s10 =	sld [smem:$0x3FB7];
	_ =	sdelay $0x3  }
0x33: {  	p0 =	seq.s32 s10, $0x1;
	s10 =	sld [smem:$0x3FB9];
	_ =	sdelay $0x3  }
0x34: {  	[smem:$0x3FB9] =	sst s10  }
0x35: {  	s10 =	sld [smem:$0x3FB8];
	_ =	sdelay $0x3  }
0x36: {  	p1 =	seq.s32 s10, $0x1;
	s10 =	sld [smem:$0x3FB9];
	_ =	sdelay $0x3  }
0x37: {  	[smem:$0x3FB9] =	sst s10  }
0x38: {  	s10 =	sld [smem:$0x3FBA]  }
0x39: {  	_ = 	snop;
	(pc) =	sbr.ind lr, $3  }
0x3a: {  	_ = 	snop  }
0x3b: {  	_ = 	snop  }
0x3c: {  	p2 =	seq.s32 s10, $0x1;
	s10 =	sld [smem:$0x3FB9]  }
0x3d: {  	_ =	shalt  }
0x3e: {  	_ =	shalt  }
0x3f: {  	_ =	shalt  }
0x40: {  	_ =	shalt  }
0x41: {  	_ =	shalt  }
0x42: {  	_ =	shalt  }
0x43: {  	_ =	shalt  }
0x44: {  	_ =	shalt  }
0x45: {  	_ =	shalt  }
0x46: {  	_ =	shalt  }
0x47: {  	_ =	shalt  }
0x48: {  	_ =	shalt  }
0x49: {  	_ =	shalt  }
0x4a: {  	_ =	shalt  }
0x4b: {  	_ =	shalt  }
0x4c: {  	_ =	shalt  }
0x4d: {  	_ =	shalt  }
0x4e: {  	_ =	shalt  }
0x4f: {  	_ =	shalt  }
0x50: {  	_ =	shalt  }
0x51: {  	_ =	shalt  }
0x52: {  	_ =	shalt  }
0x53: {  	_ =	shalt  }
0x54: {  	_ =	shalt  }
0x55: {  	_ =	shalt  }
0x56: {  	_ =	shalt  }
0x57: {  	_ =	shalt  }
0x58: {  	_ =	shalt  }
0x59: {  	_ =	shalt  }
0x5a: {  	_ =	shalt  }
0x5b: {  	_ =	shalt  }
0x5c: {  	_ =	shalt  }
0x5d: {  	_ =	shalt  }
0x5e: {  	_ =	shalt  }
0x5f: {  	_ =	shalt  }
0x60: {  	_ =	shalt  }
0x61: {  	_ =	shalt  }
0x62: {  	_ =	shalt  }
0x63: {  	_ =	shalt  }
0x64: {  	_ =	shalt  }
0x65: {  	_ =	shalt  }
0x66: {  	_ =	shalt  }
0x67: {  	_ =	shalt  }
0x68: {  	_ =	shalt  }
0x69: {  	_ =	shalt  }
0x6a: {  	_ =	shalt  }
0x6b: {  	_ =	shalt  }
0x6c: {  	_ =	shalt  }
0x6d: {  	_ =	shalt  }
0x6e: {  	_ =	shalt  }
0x6f: {  	_ =	shalt  }
0x70: {  	_ =	shalt  }
0x71: {  	_ =	shalt  }
0x72: {  	_ =	shalt  }
0x73: {  	_ =	shalt  }
0x74: {  	_ =	shalt  }
0x75: {  	_ =	shalt  }
0x76: {  	_ =	shalt  }
0x77: {  	_ =	shalt  }
0x78: {  	_ =	shalt  }
0x79: {  	_ =	shalt  }
0x7a: {  	_ =	shalt  }
0x7b: {  	_ =	shalt  }
0x7c: {  	_ =	shalt  }
0x7d: {  	_ =	shalt  }
0x7e: {  	_ =	shalt  }
0x7f: {  	_ =	shalt  }
0x80: {  	_ =	shalt  }
0x81: {  	_ =	shalt  }
0x82: {  	_ =	shalt  }
0x83: {  	_ =	shalt  }
0x84: {  	_ =	shalt  }
0x85: {  	_ =	shalt  }
0x86: {  	_ =	shalt  }
0x87: {  	_ =	shalt  }
.Lfunc_end0:
.L_simem_size_0:
called_computation_lowered:
.L_overlay_start_0:
0x88: {  	s0 =	sld [smem:$0x3FD9]  }
0x89: {  	s1 =	sld [smem:$0x3FFE];
	_ =	sdelay $0x3  }
0x8a: {  	s0 =	sadd.s32 s1, s0  }
0x8b: {  	[smem:$0x3FC5] =	sst s0  }
0x8c: {  	_ = 	snop  }
0x8d: {  	s0 =	sld [smem:$0x3FD0];
	_ =	sdelay $0x1  }
0x8e: {  	s13 =	sld [smem:$0x3FC9]  }
0x8f: {  	s3 =	simm.s32 $0xA;
	s4 =	simm.s32 $0x10;
	s2 =	sld [smem:$0x3FC7]  }
0x90: {  	[smem:s4], [sflag:s3] =	dma.local [hbm:s0], $0x1  }
0x91: {  	_ =	swait.eq [sflag:s3], $0x1  }
0x92: {  	s14 =	sld [smem:$0x10];
	[sflag:s3] =	ssyncset.done $0x0  }
0x93: {  	s15 =	sld [smem:$0x12];
	[sflag:s3] =	ssyncadd.s32 $0xFFFFFFFF  }
0x94: {  	s16 =	sld [smem:$0x13];
	(tm) =	ssettm $0x1  }
0x95: {  	s5 =	sld [smem:$0x3FFB];
	_ =	sdelay $0x3  }
0x96: {  	_ =	strace s5  }
0x97: {  	s5 =	sld [smem:$0x3FFC];
	_ =	sdelay $0x3  }
0x98: {  	_ =	strace s5  }
0x99: {  	s5 =	sld [smem:$0x3FFD];
	_ =	sdelay $0x3  }
0x9a: {  	_ =	strace s5  }
0x9b: {  	_ =	strace $0x8FFFFFFF  }
0x9c: {  	s17 =	sld [smem:$0x3FDB];
	_ =	sdelay $0x1  }
0x9d: {  	s6 =	simm.s32 $_scs_section_size  }
0x9e: {  	s7 =	simm.s32 $_size__tile_overlayer_lowered;
	s8 =	simm.s32 $_tile_overlayer_lowered  }
0x9f: {  	s20 =	simm.s32 $0x1BFF;
	s19 =	sshll.u32 s8, $0x1;
	s5 =	sadd.s32 s6, s17  }
0xa0: {  	s9 =	simm.s32 $0x0;
	s18 =	sshll.u32 s7, $0x1;
	s7 =	sadd.s32 s19, s5  }
0xa1: {  	[timem:s9], [sflag:s20] =	dma.local [hbm:s7], s18  }
0xa2: {  	_ =	swait.ge [sflag:s20], s18  }
0xa3: {  	s6 =	ssub.s32 $0x0, s18;
	[sflag:s20] =	ssyncset.done $0x0  }
0xa4: {  	[sflag:s20] =	ssyncadd.s32 s6;
	_ =	sdelay $0x1  }
0xa5: {  	s21 =	simm.s32 $0x1B8B  }
0xa6: {  	_ =	swait.ge [sflag:s21], $0x1  }
0xa7: {  	[sflag:s21] =	ssyncset.done $0x0  }
0xa8: {  	s23 =	simm.s32 $0x1B8E;
	s22 =	sld [smem:$0x3FFE];
	[sflag:s21] =	ssyncadd.s32 $0xFFFFFFFF  }
0xa9: {  	s24 =	simm.s32 $execute0_lowered;
	[smem:$0x3FD2] =	sst s23  }
0xaa: {  	s7 =	sshll.u32 s24, $0x1;
	_ =	strace $0x80000046;
	[dreg:$0x1] =	wrdreg $0xFFFFFFFF  }
0xab: {  	s25 =	simm.s32 $_size_execute0_lowered;
	s5 =	sadd.s32 s5, s7;
	[dreg:$0x0] =	wrdreg $0x0  }
0xac: {  	s7 =	sshll.u32 s25, $0x1;
	[dreg:$0x2] =	wrdreg s5  }
0xad: {  	[dreg:$0x3] =	wrdreg s7  }
0xae: {  	[dreg:$0x4] =	wrdreg $0xC0  }
0xaf: {  	_ =	task [dreg:s9], $0x5FFFF  }
0xb0: {  	[dreg:$0x1] =	wrdreg $0xFFFFFFFF  }
0xb1: {  	[dreg:$0x0] =	wrdreg $0x60  }
0xb2: {  	[dreg:$0x2] =	wrdreg s16  }
0xb3: {  	[dreg:$0x3] =	wrdreg s2  }
0xb4: {  	[dreg:$0x4] =	wrdreg s22  }
0xb5: {  	[dreg:$0x5] =	wrdreg s13  }
0xb6: {  	[dreg:$0x6] =	wrdreg s15  }
0xb7: {  	[dreg:$0x7] =	wrdreg s14  }
0xb8: {  	[dreg:$0x8] =	wrdreg $0x9  }
0xb9: {  	_ =	task.clear_ibuf [dreg:s9], $0x9FFFF;
	_ =	strace $0x90000046  }
0xba: {  	s26 =	simm.s32 $0x9;
	_ =	strace $0x80000048  }
0xbb: {  	_ =	swait.ge [sflag:s26], $0x1  }
0xbc: {  	[sflag:s26] =	ssyncadd.s32 $0xFFFFFFFF  }
0xbd: {  	_ =	strace $0x90000048  }
0xbe: {  	_ =	sfence  }
0xbf: {  	s28 =	sld [smem:$0x0];
	_ =	sdelay $0x1  }
0xc0: {  	s29 =	srdreg.scid  }
0xc1: {  	s30 =	sshll.u32 s29, $0xD;
	s31 =	sshrl.u32 s29, $0x2  }
0xc2: {  	s1 =	sand.u32 $0x1, s29;
	s2 =	sand.u32 $0x4000, s30;
	s0 =	sadd.s32 s31, s28  }
0xc3: {  	s1 =	sor.u32 s2, s1;
	s0 =	sshll.u32 s0, $0x11  }
0xc4: {  	s0 =	sor.u32 s0, s1  }
0xc5: {  	s0 =	sadd.s32 $0x8F2B, s0  }
0xc6: {  	[sflag:s0] =	ssyncadd.remote.s32 $0x1  }
0xc7: {  	_ =	sfence.sel $0xFFFF  }
0xc8: {  	[dreg:$0x0] =	wrdreg $0xFFFFFFFF;
	(pc) =	sbr.abs _section_cstart, $3  }
0xc9: {  	[dreg:$0x1] =	wrdreg $0xFFFFFFFF  }
0xca: {  	_ =	task.clear_ibuf [dreg:s9], $0x2FFFF;
	_ =	strace $0x9FFFFFFF  }
0xcb: {  	(tm) =	ssettm $0x7FFFFFFF  }
tec
execute0_lowered:
.L_overlay_start_1:
0x0: {  	(tag) =	ssettag $0x1  }
0x1: {  	s8 =	rddreg [dreg:$0x0]  }
0x2: {  	s6 =	rddreg [dreg:$0x1];
	s3 =	stileid.u32  }
0x3: {  	s5 =	rddreg [dreg:$0x2];
	p1 =	sgt.u32 s3, $0xB  }
.Ltmp0:
0x4: {  	s4 =	rddreg [dreg:$0x3];
	(pc) =	sbr.rel @p1 .LBB2_2-.Ltmp0, $4  }
0x5: {  	s7 =	rddreg [dreg:$0x4]  }
0x6: {  	s2 =	rddreg [dreg:$0x5];
	s1 =	simm.s32 $0x0  }
0x7: {  	[smem:$0x7FF] =	sst s1  }
0x8: {  	s0 =	rddreg [dreg:$0x6];
	p0 =	sne.s32 s3, $0x0;
	_ =	strace $0x80000047  }
0x9: {  	[tilespmem:s1], [sflag:$0x3] =	stream.linear.gather [hbm4b:s8+s1], $0x80, $0x38;
	[tilespmem:$0xC80] =	vst v63  }
0xa: {  	s29 =	simm.s32 $0x3  }
0xb: {  	_ =	swait.ge [sflag:s29], $0x80  }
0xc: {  	[sflag:s29] =	ssyncset.done $0x0  }
0xd: {  	[sflag:s29] =	ssyncadd.s32 $0xFFFFFF80  }
0xe: {  	v0 =	vld.msk [tilespmem:$0x0], $0xff;
	_ =	sdelay $0x4  }
0xf: {  	v1 =	vshll.u32 v0, $0x1  }
0x10: {  	v2 =	vlaneseq.u32;
	v0 =	vand.u32 $0x7, v0;
	v1 =	vand.u32 $0xFFFFFFF0, v1  }
0x11: {  	v53 =	vand.u32 $0x7, v2;
	v2 =	vshrl.u32 v2, $0x3;
	v0 =	vor.u32 v0, v1  }
0x12: {  	v54 =	vmul.u32 $0x8, v2;
	v0 =	vperm.xlane v0, v53;
	_ =	sdelay $0x1  }
0x13: {  	v0 =	vadd.s32 v54, v0;
	_ =	sdelay $0x3  }
0x14: {  	vm0 =	vmmov $0xffff;
	s30 =	simm.s32 $0x80;
	s31 =	simm.s32 $0x1  }
0x15: {  	[tilespmem:s30], [sflag:$0x1] =	stream.indirect_vreg.gather [hbm4b:s6+s1], $0x80, v0, vm0, $0xb8;
	[tilespmem:$0xC80] =	vst v63  }
0x16: {  	_ =	swait.ge [sflag:s31], $0x800  }
0x17: {  	s8 =	simm.s32 @!p0 $0x200;
	[sflag:s31] =	ssyncset.done $0x0  }
0x18: {  	s9 =	simm.s32 @!p0 $0x400;
	s10 =	simm.s32 @!p0 $0x80;
	[sflag:s31] =	ssyncadd.s32 $0xFFFFF800  }
0x19: {  	[hbm4b:s7+s8] =	stream.strided.scatter @!p0 [tilespmem:s10], [sflag:$0x3], $0x0, s9, s8, $0x38;
	[tilespmem:$0xC80] =	vst v63  }
0x1a: {  	s11 =	sadd.s32 @!p0 $0x40, s7;
	s12 =	simm.s32 @!p0 $0x480  }
0x1b: {  	[hbm4b:s11+s8] =	stream.strided.scatter @!p0 [tilespmem:s12], [sflag:$0x3], $0x0, s9, s8, $0x38;
	[tilespmem:$0xC80] =	vst v63  }
0x1c: {  	s8 =	simm.s32 @!p0 $0x0  }
0x1d: {  	[hbm4b:s7+s8] =	stream.linear.scatter @!p0 [tilespmem:s10], [sflag:$0x3], $0x180, $0x38;
	[tilespmem:$0xC80] =	vst v63  }
0x1e: {  	s13 =	sshll.u32 s3, $0x6;
	s14 =	sshll.u32 s3, $0x9;
	s9 =	simm.s32 @!p0 $0x3  }
0x1f: {  	[hbm4b:s11+s8] =	stream.linear.scatter @!p0 [tilespmem:s12], [sflag:$0x3], $0x180, $0x38;
	[tilespmem:$0xC80] =	vst v63  }
0x20: {  	s15 =	sshll.u32 s3, $0x5;
	s8 =	sor.u32 s13, s14;
	_ =	swait.ge @!p0 [sflag:s9], $0x300  }
0x21: {  	s10 =	sand.u32 $0x180, s15;
	s8 =	sand.u32 $0x440, s8;
	[sflag:s9] =	ssyncset.done @!p0 $0x0  }
0x22: {  	s8 =	sor.u32 s8, s10;
	[sflag:s9] =	ssyncadd.s32 @!p0 $0xFFFFFD00  }
0x23: {  	v55 =	vld [tilespmem:s8+$0x80];
	_ =	sdelay $0x4  }
0x24: {  	[tilespmem:$0x880] =	vst v55  }
0x25: {  	v56 =	vadd.s32 $0x5000, v55;
	[tilespmem:$0xA00] =	vst v55  }
0x26: {  	v57 =	vadd.s32 $0xA000, v55;
	[tilespmem:$0x900] =	vst v56  }
0x27: {  	[tilespmem:$0x980] =	vst v57  }
0x28: {  	v0 =	vld [tilespmem:s8+$0x90];
	_ =	sdelay $0x4  }
0x29: {  	[tilespmem:$0x890] =	vst v0  }
0x2a: {  	v58 =	vadd.s32 $0x5000, v0;
	[tilespmem:$0xA10] =	vst v0  }
0x2b: {  	v59 =	vadd.s32 $0xA000, v0;
	[tilespmem:$0x910] =	vst v58  }
0x2c: {  	[tilespmem:$0x990] =	vst v59  }
0x2d: {  	v0 =	vld [tilespmem:s8+$0xA0];
	_ =	sdelay $0x4  }
0x2e: {  	[tilespmem:$0x8A0] =	vst v0  }
0x2f: {  	v60 =	vadd.s32 $0x5000, v0;
	[tilespmem:$0xA20] =	vst v0  }
0x30: {  	v61 =	vadd.s32 $0xA000, v0;
	[tilespmem:$0x920] =	vst v60  }
0x31: {  	[tilespmem:$0x9A0] =	vst v61  }
0x32: {  	v0 =	vld [tilespmem:s8+$0xB0];
	_ =	sdelay $0x4  }
0x33: {  	[tilespmem:$0x8B0] =	vst v0  }
0x34: {  	v62 =	vadd.s32 $0x5000, v0;
	[tilespmem:$0xA30] =	vst v0  }
0x35: {  	s5 =	sadd.s32 $0x1200, s5;
	v63 =	vadd.s32 $0xA000, v0;
	[tilespmem:$0x930] =	vst v62  }
0x36: {  	s16 =	simm.s32 $0x40;
	s17 =	simm.s32 $0x880;
	s18 =	simm.s32 $0xA80;
	[tilespmem:$0x9B0] =	vst v63  }
0x37: {  	[tilespmem:s18], [sflag:$0x1] =	stream.indirect.gather [hbm4b:s5+s16], $0x1, s17, s16, $0xb8;
	[tilespmem:$0xC80] =	vst v63  }
0x38: {  	s19 =	simm.s32 $0x900;
	s20 =	simm.s32 $0xB00  }
0x39: {  	[tilespmem:s20], [sflag:$0x1] =	stream.indirect.gather [hbm4b:s5+s16], $0x1, s19, s16, $0xb8;
	[tilespmem:$0xC80] =	vst v63  }
0x3a: {  	s21 =	simm.s32 $0x980;
	s22 =	simm.s32 $0xB80  }
0x3b: {  	[tilespmem:s22], [sflag:$0x1] =	stream.indirect.gather [hbm4b:s5+s16], $0x1, s21, s16, $0xb8;
	[tilespmem:$0xC80] =	vst v63  }
0x3c: {  	s23 =	simm.s32 $0xA00;
	s24 =	simm.s32 $0xC00  }
0x3d: {  	[tilespmem:s24], [sflag:$0x1] =	stream.indirect.gather [hbm4b:s4+s16], $0x1, s23, s16, $0xb8;
	[tilespmem:$0xC80] =	vst v63  }
0x3e: {  	_ =	swait.ge [sflag:s31], $0x40  }
0x3f: {  	[sflag:s31] =	ssyncset.done $0x0  }
0x40: {  	[sflag:s31] =	ssyncadd.s32 $0xFFFFFFC0  }
0x41: {  	_ =	swait.ge [sflag:s31], $0x40  }
0x42: {  	[sflag:s31] =	ssyncset.done $0x0  }
0x43: {  	[sflag:s31] =	ssyncadd.s32 $0xFFFFFFC0  }
0x44: {  	_ =	swait.ge [sflag:s31], $0x40  }
0x45: {  	[sflag:s31] =	ssyncset.done $0x0  }
0x46: {  	[sflag:s31] =	ssyncadd.s32 $0xFFFFFFC0  }
0x47: {  	_ =	swait.ge [sflag:s31], $0x40  }
0x48: {  	s25 =	sshll.u32 s3, $0x3;
	s26 =	sshrl.u32 s13, $0x3;
	[sflag:s31] =	ssyncset.done $0x0  }
0x49: {  	s3 =	sadd.s32 s2, s25;
	s28 =	sadd.s32 s2, s26;
	[sflag:s31] =	ssyncadd.s32 $0xFFFFFFC0  }
0x4a: {  	[hbm4b:s3+s1] =	stream.linear.scatter [tilespmem:s18], [sflag:$0x2], $0x40, $0x38;
	[tilespmem:$0xC80] =	vst v63  }
0x4b: {  	s29 =	sadd.s32 $0x60, s28  }
0x4c: {  	[hbm4b:s29+s1] =	stream.linear.scatter [tilespmem:s20], [sflag:$0x2], $0x40, $0x38;
	[tilespmem:$0xC80] =	vst v63  }
0x4d: {  	s30 =	sadd.s32 $0xC0, s28  }
0x4e: {  	[hbm4b:s30+s1] =	stream.linear.scatter [tilespmem:s22], [sflag:$0x2], $0x40, $0x38;
	[tilespmem:$0xC80] =	vst v63  }
0x4f: {  	s2 =	sadd.s32 $0x120, s28;
	s31 =	simm.s32 $0x2  }
0x50: {  	[hbm4b:s2+s1] =	stream.linear.scatter [tilespmem:s24], [sflag:$0x2], $0x40, $0x38;
	[tilespmem:$0xC80] =	vst v63  }
0x51: {  	_ =	swait.ge [sflag:s31], $0x40  }
0x52: {  	[sflag:s31] =	ssyncset.done $0x0  }
0x53: {  	[sflag:s31] =	ssyncadd.s32 $0xFFFFFFC0  }
0x54: {  	_ =	swait.ge [sflag:s31], $0x40  }
0x55: {  	[sflag:s31] =	ssyncset.done $0x0  }
0x56: {  	[sflag:s31] =	ssyncadd.s32 $0xFFFFFFC0  }
0x57: {  	_ =	swait.ge [sflag:s31], $0x40  }
0x58: {  	[sflag:s31] =	ssyncset.done $0x0  }
0x59: {  	[sflag:s31] =	ssyncadd.s32 $0xFFFFFFC0  }
0x5a: {  	_ =	swait.ge [sflag:s31], $0x40  }
0x5b: {  	[sflag:s31] =	ssyncset.done $0x0  }
0x5c: {  	[sflag:s31] =	ssyncadd.s32 $0xFFFFFFC0  }
.LBB2_2:
0x5d: {  	_ =	sfence.sel $0x180000  }
0x5e: {  	[bflag:$0x0] =	sbarrier.arrive $0xFFFF  }
0x5f: {  	_ =	strace $0x90000047  }
0x60: {  	s0 =	sadd.s32 @!p0 $0x100000, s0;
	[bflag:$0x2] =	sbarrier.arrive $0xFFFF  }
0x61: {  	[sflag:s0] =	ssyncadd.tile.s32 @!p0 $0x1;
	_ =	shalt  }
.Lfunc_end2:
_tile_overlayer_lowered:
.L_overlay_start_2:
0x62: {  	(tag) =	ssettag $0x2  }
0x63: {  	s0 =	rddreg [dreg:$0x0];
	s2 =	stileid.u32  }
0x64: {  	s1 =	rddreg [dreg:$0x1];
	p0 =	sne.s32 s2, $0x0  }
0x65: {  	s3 =	rddreg [dreg:$0x2];
	[bflag:$0x3] =	sbarrier.arrive $0xFFFF;
	s2 =	simm.s32 @!p0 $0x1C03  }
0x66: {  	[timem:s3], [sflag:s2] =	dma.local @!p0 [hbm:s0], s1  }
0x67: {  	s0 =	simm.s32 @!p0 $0x3  }
0x68: {  	_ =	swait.ge @!p0 [sflag:s0], s1  }
0x69: {  	s1 =	ssub.s32 @!p0 $0x0, s1;
	[sflag:s0] =	ssyncset.done @!p0 $0x0  }
0x6a: {  	[sflag:s0] =	ssyncadd.s32 @!p0 s1  }
0x6b: {  	[bflag:$0x3] =	sbarrier.arrive $0xFFFF  }
0x6c: {  	_ =	shalt  }

</sc_bundles>
